<compile_context>
chip_gen: v7x
topology: tpu7x:2x2x1
jax: 0.10.2.dev20260603
libtpu: 0.0.44.dev20260713+nightly
codegen_flags: <defaults>
</compile_context>

<pallas_src>
import functools

import jax
import jax.numpy as jnp
from jax import lax
from jax.experimental import pallas as pl
from jax.experimental.pallas import tpu as pltpu
from jax.experimental.pallas import tpu_sc as plsc

LORA_SCALING = 2.0

NC = 2
NS = 16
NW = NC * NS

IDXV = 128
CHUNK = 1024
NSTREAM = CHUNK // IDXV
BATCH = 16384
HALF = 1024


def _sc_gather_body(nchunk, x_hbm, xs_hbm, w_hbm, a_hbm, base2_hbm, arows_hbm,
                    idx_v, idxs_v, bufw, bufa, sem_i, sem_w, sem_a):
    wid = lax.axis_index("s") * NC + lax.axis_index("c")
    bpw = nchunk * CHUNK

    def chunk_body(c, carry):
        m0 = wid * bpw + c * CHUNK
        r = m0 // IDXV
        pltpu.async_copy(x_hbm.at[pl.ds(r, NSTREAM)], idx_v, sem_i).wait()
        pltpu.async_copy(xs_hbm.at[pl.ds(r, NSTREAM)], idxs_v, sem_i).wait()
        descs = []
        for j in range(NSTREAM):
            descs.append(pltpu.async_copy(
                w_hbm.at[idx_v.at[j]], bufw.at[pl.ds(j * IDXV, IDXV)], sem_w))
            descs.append(pltpu.async_copy(
                a_hbm.at[idxs_v.at[j]], bufa.at[pl.ds(j * IDXV, IDXV)], sem_a))
        for d in descs:
            d.wait()

        l = m0 // BATCH
        b0 = m0 - l * BATCH
        jh = (b0 // HALF) % 2
        row0 = l * (BATCH // 2) + (b0 // (2 * HALF)) * HALF
        pltpu.sync_copy(bufw, base2_hbm.at[pl.ds(row0, CHUNK), pl.ds(jh * 64, 64)])
        pltpu.sync_copy(bufa, arows_hbm.at[pl.ds(m0, CHUNK)])
        return carry

    lax.fori_loop(0, nchunk, chunk_body, 0)


def _sc_gather(x2d, xs2d, weight, lora_A):
    n = x2d.shape[0] * x2d.shape[1]
    nchunk = n // (NW * CHUNK)
    d = weight.shape[1]
    r = lora_A.shape[1]
    mesh = plsc.VectorSubcoreMesh(core_axis_name="c", subcore_axis_name="s",
                                  num_cores=NC, num_subcores=NS)
    kern = pl.kernel(
        functools.partial(_sc_gather_body, nchunk),
        out_type=(
            jax.ShapeDtypeStruct((n // 2, 2 * d), jnp.float32),
            jax.ShapeDtypeStruct((n, r), jnp.float32),
        ),
        mesh=mesh,
        scratch_types=[
            pltpu.VMEM((NSTREAM, IDXV), jnp.int32),
            pltpu.VMEM((NSTREAM, IDXV), jnp.int32),
            pltpu.VMEM((CHUNK, d), jnp.float32),
            pltpu.VMEM((CHUNK, r), jnp.float32),
            pltpu.SemaphoreType.DMA,
            pltpu.SemaphoreType.DMA,
            pltpu.SemaphoreType.DMA,
        ],
        compiler_params=pltpu.CompilerParams(use_tc_tiling_on_sc=False),
    )
    return kern(x2d, xs2d, weight, lora_A)


def _tc_combine_body(base2_ref, a8_ref, m8_ref, out_ref):
    bt = base2_ref[...].T
    delta8 = lax.dot_general(a8_ref[...], m8_ref[...],
                             (((1,), (0,)), ((), ())),
                             preferred_element_type=jnp.float32)
    d8t = delta8.T
    dt = jnp.concatenate([d8t[64 * u:64 * (u + 1), :] for u in range(8)],
                         axis=1)
    base_t = jnp.concatenate([bt[:64, :], bt[64:, :]], axis=1)
    out_ref[0] = base_t + dt


def _tc_combine_t(base2, arows, m8, hist, batch):
    d = 64
    r = 16
    n = arows.shape[0]
    a8 = arows.reshape(n * r // 128, 128)
    bblk = 2 * HALF
    nb = batch // bblk
    return pl.pallas_call(
        _tc_combine_body,
        grid=(hist, nb),
        in_specs=[
            pl.BlockSpec((HALF, 128), lambda l, c: (l * nb + c, 0)),
            pl.BlockSpec((bblk * r // 128, 128), lambda l, c: (l * nb + c, 0)),
            pl.BlockSpec((128, 8 * d), lambda l, c: (0, 0)),
        ],
        out_specs=pl.BlockSpec((1, d, bblk), lambda l, c: (l, 0, c)),
        out_shape=jax.ShapeDtypeStruct((hist, d, batch), jnp.float32),
    )(base2, a8, m8)


def kernel(x, weight, lora_A, lora_B):
    b, h = x.shape
    n = b * h
    d = weight.shape[1]
    xt = x.T.reshape(n).astype(jnp.int32)
    x2d = xt.reshape(n // IDXV, IDXV)
    xs2d = (xt.reshape(n // (2 * HALF), 8, 2 * HALF // 8)
            .transpose(0, 2, 1).reshape(n // IDXV, IDXV))
    base2, arows = _sc_gather(x2d, xs2d, weight, lora_A)
    m8 = jnp.kron(jnp.eye(8, dtype=weight.dtype), lora_B * LORA_SCALING)
    out_t = _tc_combine_t(base2, arows, m8, h, b)
    return jnp.transpose(out_t, (2, 0, 1))

# --- scband reference (transcript-rebuilt; emitter-appended) ---
"""Pipeline reference for scband-transposed-embedding-16166256902811 (READ-ONLY COPY).

The authoritative reference and input builder live on the scoring server;
editing this copy changes nothing except your own understanding.
"""

import jax, jax.numpy as jnp
import numpy as np

VOCAB = 1000000
EMBED_DIM = 64
R = 16
LORA_ALPHA = 32
SCALING = LORA_ALPHA / R
BATCH = 16384
HIST = 50

def setup_inputs(seed: int = 0) -> dict:
    key = jax.random.key(seed)
    k1, k2, k3, k4 = jax.random.split(key, 4)
    x = jax.random.randint(k1, (BATCH, HIST), 0, VOCAB, dtype=jnp.int64 if jax.config.read('jax_enable_x64') else jnp.int32)
    weight = jax.random.normal(k2, (VOCAB, EMBED_DIM), dtype=jnp.float32)
    # LoRA init: A ~ randn (per update_layer_embedding), B typically zeros after reset; keep randn-init A,
    # and use reset-style init: normal A, zeros B would make delta zero; use small random B to keep math nontrivial
    lora_A = jax.random.normal(k3, (VOCAB, R), dtype=jnp.float32)
    lora_B = jax.random.normal(k4, (R, EMBED_DIM), dtype=jnp.float32) * 0.02
    return {"x": x, "weight": weight, "lora_A": lora_A, "lora_B": lora_B}

def reference(x, weight, lora_A, lora_B):
    # base embedding lookup
    result = jnp.take(weight, x, axis=0)  # [B, L, D]
    # LoRA path: embed with lora_A ([vocab, r]), then project with lora_B ([r, D])
    after_A = jnp.take(lora_A, x, axis=0)  # [B, L, r]
    result = result + (after_A @ lora_B) * SCALING
    return result

if __name__ == "__main__":
    import jax
    _d = setup_inputs()
    print(jax.jit(kernel)(*tuple(_d.values())))

</pallas_src>

<mosaic_0001>
#map = affine_map<(d0, d1) -> (0, 0)>
module attributes {stable_mosaic.version = 14 : i64} {
  func.func @_sc_gather_body(%arg0: i32, %arg1: i32, %arg2: memref<6400x128xi32, #tpu.memory_space<hbm>>, %arg3: memref<6400x128xi32, #tpu.memory_space<hbm>>, %arg4: memref<1000000x64xf32, #tpu.memory_space<hbm>>, %arg5: memref<1000000x16xf32, #tpu.memory_space<hbm>>, %arg6: memref<409600x128xf32, #tpu.memory_space<hbm>>, %arg7: memref<819200x16xf32, #tpu.memory_space<hbm>>, %arg8: memref<8x128xi32, #tpu.memory_space<vmem>>, %arg9: memref<8x128xi32, #tpu.memory_space<vmem>>, %arg10: memref<1024x64xf32, #tpu.memory_space<vmem>>, %arg11: memref<1024x16xf32, #tpu.memory_space<vmem>>, %arg12: memref<!tpu.dma_semaphore, #tpu.memory_space<semaphore_mem>>, %arg13: memref<!tpu.dma_semaphore, #tpu.memory_space<semaphore_mem>>, %arg14: memref<!tpu.dma_semaphore, #tpu.memory_space<semaphore_mem>>) attributes {dimension_semantics = [#tpu.dimension_semantics<core_parallel>, #tpu.dimension_semantics<subcore_parallel>], iteration_bounds = array<i64: 2, 16>, scalar_prefetch = 0 : i64, scratch_operands = 7 : i64, tpu.core_type = #tpu.core_type<sc_vector_subcore>, window_params = [{transform_indices = #map}, {transform_indices = #map}, {transform_indices = #map}, {transform_indices = #map}, {transform_indices = #map}, {transform_indices = #map}]} {
    %mul3A = arith.constant 2 : i32
    %mul3A_0 = arith.muli %arg1, %mul3A : i32
    %add3A = arith.addi %mul3A_0, %arg0 : i32
    %scan3A = arith.constant 0 : i32
    %scan3A_1 = arith.constant 0 : i32
    %scan3A_2 = arith.constant 25 : i32
    %scan3A_3 = arith.addi %scan3A_1, %scan3A_2 : i32
    %scan3A_4 = arith.constant 1 : i32
    scf.for %scan3A_6 = %scan3A_1 to %scan3A_3 step %scan3A_4  : i32 {
      %mul3A_7 = arith.constant 25600 : i32
      %mul3A_8 = arith.muli %add3A, %mul3A_7 : i32
      %mul3A_9 = arith.constant 1024 : i32
      %mul3A_10 = arith.muli %scan3A_6, %mul3A_9 : i32
      %add3A_11 = arith.addi %mul3A_8, %mul3A_10 : i32
      %jit3A = arith.constant 128 : i32
      %div3A = arith.divsi %add3A_11, %jit3A : i32
      %sign3A = arith.constant 0 : i32
      %sign3A_12 = arith.cmpi sgt, %add3A_11, %sign3A : i32
      %sign3A_13 = arith.extui %sign3A_12 : i1 to i32
      %sign3A_14 = arith.constant 0 : i32
      %sign3A_15 = arith.cmpi slt, %add3A_11, %sign3A_14 : i32
      %sign3A_16 = arith.extui %sign3A_15 : i1 to i32
      %sign3A_17 = arith.subi %sign3A_13, %sign3A_16 : i32
      %sign3A_18 = arith.constant 0 : i32
      %sign3A_19 = arith.cmpi sgt, %jit3A, %sign3A_18 : i32
      %sign3A_20 = arith.extui %sign3A_19 : i1 to i32
      %sign3A_21 = arith.constant 0 : i32
      %sign3A_22 = arith.cmpi slt, %jit3A, %sign3A_21 : i32
      %sign3A_23 = arith.extui %sign3A_22 : i1 to i32
      %sign3A_24 = arith.subi %sign3A_20, %sign3A_23 : i32
      %ne3A = arith.cmpi ne, %sign3A_17, %sign3A_24 : i32
      %rem3A = arith.remsi %add3A_11, %jit3A : i32
      %ne3A_25 = arith.constant 0 : i32
      %ne3A_26 = arith.cmpi ne, %rem3A, %ne3A_25 : i32
      %and3A = arith.andi %ne3A, %ne3A_26 : i1
      %sub3A = arith.constant 1 : i32
      %sub3A_27 = arith.subi %div3A, %sub3A : i32
      %select_n3A = arith.select %and3A, %sub3A_27, %div3A : i32
      %dma_start3A = arith.constant 0 : i32
      %dma_start3A_28 = tpu.memref_slice %arg2[%select_n3A, %dma_start3A] : memref<6400x128xi32, #tpu.memory_space<hbm>> -> memref<8x128xi32, #tpu.memory_space<hbm>>
      %dma_start3A_29 = arith.constant 0 : i32
      %dma_start3A_30 = tpu.memref_slice %arg2[%select_n3A, %dma_start3A_29] : memref<6400x128xi32, #tpu.memory_space<hbm>> -> memref<8x128xi32, #tpu.memory_space<hbm>>
      tpu.enqueue_dma source(%dma_start3A_30 : memref<8x128xi32, #tpu.memory_space<hbm>>) target(%arg8 : memref<8x128xi32, #tpu.memory_space<vmem>>) target_semaphore(%arg12 : memref<!tpu.dma_semaphore, #tpu.memory_space<semaphore_mem>>)
      %dma_wait3A = arith.constant 0 : i32
      %dma_wait3A_31 = tpu.memref_slice %arg2[%select_n3A, %dma_wait3A] : memref<6400x128xi32, #tpu.memory_space<hbm>> -> memref<8x128xi32, #tpu.memory_space<hbm>>
      %dma_wait3A_32 = arith.constant 0 : i32
      %dma_wait3A_33 = tpu.memref_slice %arg2[%select_n3A, %dma_wait3A_32] : memref<6400x128xi32, #tpu.memory_space<hbm>> -> memref<8x128xi32, #tpu.memory_space<hbm>>
      tpu.wait_dma2 semaphore(%arg12 : memref<!tpu.dma_semaphore, #tpu.memory_space<semaphore_mem>>) src(%dma_wait3A_33 : memref<8x128xi32, #tpu.memory_space<hbm>>) dst(%arg8 : memref<8x128xi32, #tpu.memory_space<vmem>>)
      %dma_start3A_34 = arith.constant 0 : i32
      %dma_start3A_35 = tpu.memref_slice %arg3[%select_n3A, %dma_start3A_34] : memref<6400x128xi32, #tpu.memory_space<hbm>> -> memref<8x128xi32, #tpu.memory_space<hbm>>
      %dma_start3A_36 = arith.constant 0 : i32
      %dma_start3A_37 = tpu.memref_slice %arg3[%select_n3A, %dma_start3A_36] : memref<6400x128xi32, #tpu.memory_space<hbm>> -> memref<8x128xi32, #tpu.memory_space<hbm>>
      tpu.enqueue_dma source(%dma_start3A_37 : memref<8x128xi32, #tpu.memory_space<hbm>>) target(%arg9 : memref<8x128xi32, #tpu.memory_space<vmem>>) target_semaphore(%arg12 : memref<!tpu.dma_semaphore, #tpu.memory_space<semaphore_mem>>)
      %dma_wait3A_38 = arith.constant 0 : i32
      %dma_wait3A_39 = tpu.memref_slice %arg3[%select_n3A, %dma_wait3A_38] : memref<6400x128xi32, #tpu.memory_space<hbm>> -> memref<8x128xi32, #tpu.memory_space<hbm>>
      %dma_wait3A_40 = arith.constant 0 : i32
      %dma_wait3A_41 = tpu.memref_slice %arg3[%select_n3A, %dma_wait3A_40] : memref<6400x128xi32, #tpu.memory_space<hbm>> -> memref<8x128xi32, #tpu.memory_space<hbm>>
      tpu.wait_dma2 semaphore(%arg12 : memref<!tpu.dma_semaphore, #tpu.memory_space<semaphore_mem>>) src(%dma_wait3A_41 : memref<8x128xi32, #tpu.memory_space<hbm>>) dst(%arg9 : memref<8x128xi32, #tpu.memory_space<vmem>>)
      %dma_start3A_42 = arith.constant 0 : i32
      %dma_start3A_43 = arith.constant 0 : i32
      %dma_start3A_44 = arith.constant 0 : i32
      %dma_start3A_45 = tpu.memref_slice %arg10[%dma_start3A_43, %dma_start3A_44] : memref<1024x64xf32, #tpu.memory_space<vmem>> -> memref<128x64xf32, #tpu.memory_space<vmem>>
      %dma_start3A_46 = arith.constant 0 : i32
      %dma_start3A_47 = tpu.memref_slice %arg8[%dma_start3A_42, %dma_start3A_46] : memref<8x128xi32, #tpu.memory_space<vmem>> -> memref<1x128xi32, #tpu.memory_space<vmem>>
      %dma_start3A_48 = tpu.memref_squeeze %dma_start3A_47 : memref<1x128xi32, #tpu.memory_space<vmem>> -> memref<128xi32, #tpu.memory_space<vmem>>
      %dma_start3A_49 = arith.constant 0 : i32
      %dma_start3A_50 = arith.constant 0 : i32
      %dma_start3A_51 = tpu.memref_slice %arg4[%dma_start3A_49, %dma_start3A_50] : memref<1000000x64xf32, #tpu.memory_space<hbm>> -> memref<1000000x64xf32, #tpu.memory_space<hbm>>
      tpu.enqueue_indirect_dma source(%dma_start3A_51 : memref<1000000x64xf32, #tpu.memory_space<hbm>>) target(%dma_start3A_45 : memref<128x64xf32, #tpu.memory_space<vmem>>) offsets(%dma_start3A_48 : memref<128xi32, #tpu.memory_space<vmem>>) semaphore(%arg13 : memref<!tpu.dma_semaphore, #tpu.memory_space<semaphore_mem>>)
      %dma_start3A_52 = arith.constant 0 : i32
      %dma_start3A_53 = arith.constant 0 : i32
      %dma_start3A_54 = arith.constant 0 : i32
      %dma_start3A_55 = tpu.memref_slice %arg11[%dma_start3A_53, %dma_start3A_54] : memref<1024x16xf32, #tpu.memory_space<vmem>> -> memref<128x16xf32, #tpu.memory_space<vmem>>
      %dma_start3A_56 = arith.constant 0 : i32
      %dma_start3A_57 = tpu.memref_slice %arg9[%dma_start3A_52, %dma_start3A_56] : memref<8x128xi32, #tpu.memory_space<vmem>> -> memref<1x128xi32, #tpu.memory_space<vmem>>
      %dma_start3A_58 = tpu.memref_squeeze %dma_start3A_57 : memref<1x128xi32, #tpu.memory_space<vmem>> -> memref<128xi32, #tpu.memory_space<vmem>>
      %dma_start3A_59 = arith.constant 0 : i32
      %dma_start3A_60 = arith.constant 0 : i32
      %dma_start3A_61 = tpu.memref_slice %arg5[%dma_start3A_59, %dma_start3A_60] : memref<1000000x16xf32, #tpu.memory_space<hbm>> -> memref<1000000x16xf32, #tpu.memory_space<hbm>>
      tpu.enqueue_indirect_dma source(%dma_start3A_61 : memref<1000000x16xf32, #tpu.memory_space<hbm>>) target(%dma_start3A_55 : memref<128x16xf32, #tpu.memory_space<vmem>>) offsets(%dma_start3A_58 : memref<128xi32, #tpu.memory_space<vmem>>) semaphore(%arg14 : memref<!tpu.dma_semaphore, #tpu.memory_space<semaphore_mem>>)
      %dma_start3A_62 = arith.constant 1 : i32
      %dma_start3A_63 = arith.constant 128 : i32
      %dma_start3A_64 = arith.constant 0 : i32
      %dma_start3A_65 = tpu.memref_slice %arg10[%dma_start3A_63, %dma_start3A_64] : memref<1024x64xf32, #tpu.memory_space<vmem>> -> memref<128x64xf32, #tpu.memory_space<vmem>>
      %dma_start3A_66 = arith.constant 0 : i32
      %dma_start3A_67 = tpu.memref_slice %arg8[%dma_start3A_62, %dma_start3A_66] : memref<8x128xi32, #tpu.memory_space<vmem>> -> memref<1x128xi32, #tpu.memory_space<vmem>>
      %dma_start3A_68 = tpu.memref_squeeze %dma_start3A_67 : memref<1x128xi32, #tpu.memory_space<vmem>> -> memref<128xi32, #tpu.memory_space<vmem>>
      %dma_start3A_69 = arith.constant 0 : i32
      %dma_start3A_70 = arith.constant 0 : i32
      %dma_start3A_71 = tpu.memref_slice %arg4[%dma_start3A_69, %dma_start3A_70] : memref<1000000x64xf32, #tpu.memory_space<hbm>> -> memref<1000000x64xf32, #tpu.memory_space<hbm>>
      tpu.enqueue_indirect_dma source(%dma_start3A_71 : memref<1000000x64xf32, #tpu.memory_space<hbm>>) target(%dma_start3A_65 : memref<128x64xf32, #tpu.memory_space<vmem>>) offsets(%dma_start3A_68 : memref<128xi32, #tpu.memory_space<vmem>>) semaphore(%arg13 : memref<!tpu.dma_semaphore, #tpu.memory_space<semaphore_mem>>)
      %dma_start3A_72 = arith.constant 1 : i32
      %dma_start3A_73 = arith.constant 128 : i32
      %dma_start3A_74 = arith.constant 0 : i32
      %dma_start3A_75 = tpu.memref_slice %arg11[%dma_start3A_73, %dma_start3A_74] : memref<1024x16xf32, #tpu.memory_space<vmem>> -> memref<128x16xf32, #tpu.memory_space<vmem>>
      %dma_start3A_76 = arith.constant 0 : i32
      %dma_start3A_77 = tpu.memref_slice %arg9[%dma_start3A_72, %dma_start3A_76] : memref<8x128xi32, #tpu.memory_space<vmem>> -> memref<1x128xi32, #tpu.memory_space<vmem>>
      %dma_start3A_78 = tpu.memref_squeeze %dma_start3A_77 : memref<1x128xi32, #tpu.memory_space<vmem>> -> memref<128xi32, #tpu.memory_space<vmem>>
      %dma_start3A_79 = arith.constant 0 : i32
      %dma_start3A_80 = arith.constant 0 : i32
      %dma_start3A_81 = tpu.memref_slice %arg5[%dma_start3A_79, %dma_start3A_80] : memref<1000000x16xf32, #tpu.memory_space<hbm>> -> memref<1000000x16xf32, #tpu.memory_space<hbm>>
      tpu.enqueue_indirect_dma source(%dma_start3A_81 : memref<1000000x16xf32, #tpu.memory_space<hbm>>) target(%dma_start3A_75 : memref<128x16xf32, #tpu.memory_space<vmem>>) offsets(%dma_start3A_78 : memref<128xi32, #tpu.memory_space<vmem>>) semaphore(%arg14 : memref<!tpu.dma_semaphore, #tpu.memory_space<semaphore_mem>>)
      %dma_start3A_82 = arith.constant 2 : i32
      %dma_start3A_83 = arith.constant 256 : i32
      %dma_start3A_84 = arith.constant 0 : i32
      %dma_start3A_85 = tpu.memref_slice %arg10[%dma_start3A_83, %dma_start3A_84] : memref<1024x64xf32, #tpu.memory_space<vmem>> -> memref<128x64xf32, #tpu.memory_space<vmem>>
      %dma_start3A_86 = arith.constant 0 : i32
      %dma_start3A_87 = tpu.memref_slice %arg8[%dma_start3A_82, %dma_start3A_86] : memref<8x128xi32, #tpu.memory_space<vmem>> -> memref<1x128xi32, #tpu.memory_space<vmem>>
      %dma_start3A_88 = tpu.memref_squeeze %dma_start3A_87 : memref<1x128xi32, #tpu.memory_space<vmem>> -> memref<128xi32, #tpu.memory_space<vmem>>
      %dma_start3A_89 = arith.constant 0 : i32
      %dma_start3A_90 = arith.constant 0 : i32
      %dma_start3A_91 = tpu.memref_slice %arg4[%dma_start3A_89, %dma_start3A_90] : memref<1000000x64xf32, #tpu.memory_space<hbm>> -> memref<1000000x64xf32, #tpu.memory_space<hbm>>
      tpu.enqueue_indirect_dma source(%dma_start3A_91 : memref<1000000x64xf32, #tpu.memory_space<hbm>>) target(%dma_start3A_85 : memref<128x64xf32, #tpu.memory_space<vmem>>) offsets(%dma_start3A_88 : memref<128xi32, #tpu.memory_space<vmem>>) semaphore(%arg13 : memref<!tpu.dma_semaphore, #tpu.memory_space<semaphore_mem>>)
      %dma_start3A_92 = arith.constant 2 : i32
      %dma_start3A_93 = arith.constant 256 : i32
      %dma_start3A_94 = arith.constant 0 : i32
      %dma_start3A_95 = tpu.memref_slice %arg11[%dma_start3A_93, %dma_start3A_94] : memref<1024x16xf32, #tpu.memory_space<vmem>> -> memref<128x16xf32, #tpu.memory_space<vmem>>
      %dma_start3A_96 = arith.constant 0 : i32
      %dma_start3A_97 = tpu.memref_slice %arg9[%dma_start3A_92, %dma_start3A_96] : memref<8x128xi32, #tpu.memory_space<vmem>> -> memref<1x128xi32, #tpu.memory_space<vmem>>
      %dma_start3A_98 = tpu.memref_squeeze %dma_start3A_97 : memref<1x128xi32, #tpu.memory_space<vmem>> -> memref<128xi32, #tpu.memory_space<vmem>>
      %dma_start3A_99 = arith.constant 0 : i32
      %dma_start3A_100 = arith.constant 0 : i32
      %dma_start3A_101 = tpu.memref_slice %arg5[%dma_start3A_99, %dma_start3A_100] : memref<1000000x16xf32, #tpu.memory_space<hbm>> -> memref<1000000x16xf32, #tpu.memory_space<hbm>>
      tpu.enqueue_indirect_dma source(%dma_start3A_101 : memref<1000000x16xf32, #tpu.memory_space<hbm>>) target(%dma_start3A_95 : memref<128x16xf32, #tpu.memory_space<vmem>>) offsets(%dma_start3A_98 : memref<128xi32, #tpu.memory_space<vmem>>) semaphore(%arg14 : memref<!tpu.dma_semaphore, #tpu.memory_space<semaphore_mem>>)
      %dma_start3A_102 = arith.constant 3 : i32
      %dma_start3A_103 = arith.constant 384 : i32
      %dma_start3A_104 = arith.constant 0 : i32
      %dma_start3A_105 = tpu.memref_slice %arg10[%dma_start3A_103, %dma_start3A_104] : memref<1024x64xf32, #tpu.memory_space<vmem>> -> memref<128x64xf32, #tpu.memory_space<vmem>>
      %dma_start3A_106 = arith.constant 0 : i32
      %dma_start3A_107 = tpu.memref_slice %arg8[%dma_start3A_102, %dma_start3A_106] : memref<8x128xi32, #tpu.memory_space<vmem>> -> memref<1x128xi32, #tpu.memory_space<vmem>>
      %dma_start3A_108 = tpu.memref_squeeze %dma_start3A_107 : memref<1x128xi32, #tpu.memory_space<vmem>> -> memref<128xi32, #tpu.memory_space<vmem>>
      %dma_start3A_109 = arith.constant 0 : i32
      %dma_start3A_110 = arith.constant 0 : i32
      %dma_start3A_111 = tpu.memref_slice %arg4[%dma_start3A_109, %dma_start3A_110] : memref<1000000x64xf32, #tpu.memory_space<hbm>> -> memref<1000000x64xf32, #tpu.memory_space<hbm>>
      tpu.enqueue_indirect_dma source(%dma_start3A_111 : memref<1000000x64xf32, #tpu.memory_space<hbm>>) target(%dma_start3A_105 : memref<128x64xf32, #tpu.memory_space<vmem>>) offsets(%dma_start3A_108 : memref<128xi32, #tpu.memory_space<vmem>>) semaphore(%arg13 : memref<!tpu.dma_semaphore, #tpu.memory_space<semaphore_mem>>)
      %dma_start3A_112 = arith.constant 3 : i32
      %dma_start3A_113 = arith.constant 384 : i32
      %dma_start3A_114 = arith.constant 0 : i32
      %dma_start3A_115 = tpu.memref_slice %arg11[%dma_start3A_113, %dma_start3A_114] : memref<1024x16xf32, #tpu.memory_space<vmem>> -> memref<128x16xf32, #tpu.memory_space<vmem>>
      %dma_start3A_116 = arith.constant 0 : i32
      %dma_start3A_117 = tpu.memref_slice %arg9[%dma_start3A_112, %dma_start3A_116] : memref<8x128xi32, #tpu.memory_space<vmem>> -> memref<1x128xi32, #tpu.memory_space<vmem>>
      %dma_start3A_118 = tpu.memref_squeeze %dma_start3A_117 : memref<1x128xi32, #tpu.memory_space<vmem>> -> memref<128xi32, #tpu.memory_space<vmem>>
      %dma_start3A_119 = arith.constant 0 : i32
      %dma_start3A_120 = arith.constant 0 : i32
      %dma_start3A_121 = tpu.memref_slice %arg5[%dma_start3A_119, %dma_start3A_120] : memref<1000000x16xf32, #tpu.memory_space<hbm>> -> memref<1000000x16xf32, #tpu.memory_space<hbm>>
      tpu.enqueue_indirect_dma source(%dma_start3A_121 : memref<1000000x16xf32, #tpu.memory_space<hbm>>) target(%dma_start3A_115 : memref<128x16xf32, #tpu.memory_space<vmem>>) offsets(%dma_start3A_118 : memref<128xi32, #tpu.memory_space<vmem>>) semaphore(%arg14 : memref<!tpu.dma_semaphore, #tpu.memory_space<semaphore_mem>>)
      %dma_start3A_122 = arith.constant 4 : i32
      %dma_start3A_123 = arith.constant 512 : i32
      %dma_start3A_124 = arith.constant 0 : i32
      %dma_start3A_125 = tpu.memref_slice %arg10[%dma_start3A_123, %dma_start3A_124] : memref<1024x64xf32, #tpu.memory_space<vmem>> -> memref<128x64xf32, #tpu.memory_space<vmem>>
      %dma_start3A_126 = arith.constant 0 : i32
      %dma_start3A_127 = tpu.memref_slice %arg8[%dma_start3A_122, %dma_start3A_126] : memref<8x128xi32, #tpu.memory_space<vmem>> -> memref<1x128xi32, #tpu.memory_space<vmem>>
      %dma_start3A_128 = tpu.memref_squeeze %dma_start3A_127 : memref<1x128xi32, #tpu.memory_space<vmem>> -> memref<128xi32, #tpu.memory_space<vmem>>
      %dma_start3A_129 = arith.constant 0 : i32
      %dma_start3A_130 = arith.constant 0 : i32
      %dma_start3A_131 = tpu.memref_slice %arg4[%dma_start3A_129, %dma_start3A_130] : memref<1000000x64xf32, #tpu.memory_space<hbm>> -> memref<1000000x64xf32, #tpu.memory_space<hbm>>
      tpu.enqueue_indirect_dma source(%dma_start3A_131 : memref<1000000x64xf32, #tpu.memory_space<hbm>>) target(%dma_start3A_125 : memref<128x64xf32, #tpu.memory_space<vmem>>) offsets(%dma_start3A_128 : memref<128xi32, #tpu.memory_space<vmem>>) semaphore(%arg13 : memref<!tpu.dma_semaphore, #tpu.memory_space<semaphore_mem>>)
      %dma_start3A_132 = arith.constant 4 : i32
      %dma_start3A_133 = arith.constant 512 : i32
      %dma_start3A_134 = arith.constant 0 : i32
      %dma_start3A_135 = tpu.memref_slice %arg11[%dma_start3A_133, %dma_start3A_134] : memref<1024x16xf32, #tpu.memory_space<vmem>> -> memref<128x16xf32, #tpu.memory_space<vmem>>
      %dma_start3A_136 = arith.constant 0 : i32
      %dma_start3A_137 = tpu.memref_slice %arg9[%dma_start3A_132, %dma_start3A_136] : memref<8x128xi32, #tpu.memory_space<vmem>> -> memref<1x128xi32, #tpu.memory_space<vmem>>
      %dma_start3A_138 = tpu.memref_squeeze %dma_start3A_137 : memref<1x128xi32, #tpu.memory_space<vmem>> -> memref<128xi32, #tpu.memory_space<vmem>>
      %dma_start3A_139 = arith.constant 0 : i32
      %dma_start3A_140 = arith.constant 0 : i32
      %dma_start3A_141 = tpu.memref_slice %arg5[%dma_start3A_139, %dma_start3A_140] : memref<1000000x16xf32, #tpu.memory_space<hbm>> -> memref<1000000x16xf32, #tpu.memory_space<hbm>>
      tpu.enqueue_indirect_dma source(%dma_start3A_141 : memref<1000000x16xf32, #tpu.memory_space<hbm>>) target(%dma_start3A_135 : memref<128x16xf32, #tpu.memory_space<vmem>>) offsets(%dma_start3A_138 : memref<128xi32, #tpu.memory_space<vmem>>) semaphore(%arg14 : memref<!tpu.dma_semaphore, #tpu.memory_space<semaphore_mem>>)
      %dma_start3A_142 = arith.constant 5 : i32
      %dma_start3A_143 = arith.constant 640 : i32
      %dma_start3A_144 = arith.constant 0 : i32
      %dma_start3A_145 = tpu.memref_slice %arg10[%dma_start3A_143, %dma_start3A_144] : memref<1024x64xf32, #tpu.memory_space<vmem>> -> memref<128x64xf32, #tpu.memory_space<vmem>>
      %dma_start3A_146 = arith.constant 0 : i32
      %dma_start3A_147 = tpu.memref_slice %arg8[%dma_start3A_142, %dma_start3A_146] : memref<8x128xi32, #tpu.memory_space<vmem>> -> memref<1x128xi32, #tpu.memory_space<vmem>>
      %dma_start3A_148 = tpu.memref_squeeze %dma_start3A_147 : memref<1x128xi32, #tpu.memory_space<vmem>> -> memref<128xi32, #tpu.memory_space<vmem>>
      %dma_start3A_149 = arith.constant 0 : i32
      %dma_start3A_150 = arith.constant 0 : i32
      %dma_start3A_151 = tpu.memref_slice %arg4[%dma_start3A_149, %dma_start3A_150] : memref<1000000x64xf32, #tpu.memory_space<hbm>> -> memref<1000000x64xf32, #tpu.memory_space<hbm>>
      tpu.enqueue_indirect_dma source(%dma_start3A_151 : memref<1000000x64xf32, #tpu.memory_space<hbm>>) target(%dma_start3A_145 : memref<128x64xf32, #tpu.memory_space<vmem>>) offsets(%dma_start3A_148 : memref<128xi32, #tpu.memory_space<vmem>>) semaphore(%arg13 : memref<!tpu.dma_semaphore, #tpu.memory_space<semaphore_mem>>)
      %dma_start3A_152 = arith.constant 5 : i32
      %dma_start3A_153 = arith.constant 640 : i32
      %dma_start3A_154 = arith.constant 0 : i32
      %dma_start3A_155 = tpu.memref_slice %arg11[%dma_start3A_153, %dma_start3A_154] : memref<1024x16xf32, #tpu.memory_space<vmem>> -> memref<128x16xf32, #tpu.memory_space<vmem>>
      %dma_start3A_156 = arith.constant 0 : i32
      %dma_start3A_157 = tpu.memref_slice %arg9[%dma_start3A_152, %dma_start3A_156] : memref<8x128xi32, #tpu.memory_space<vmem>> -> memref<1x128xi32, #tpu.memory_space<vmem>>
      %dma_start3A_158 = tpu.memref_squeeze %dma_start3A_157 : memref<1x128xi32, #tpu.memory_space<vmem>> -> memref<128xi32, #tpu.memory_space<vmem>>
      %dma_start3A_159 = arith.constant 0 : i32
      %dma_start3A_160 = arith.constant 0 : i32
      %dma_start3A_161 = tpu.memref_slice %arg5[%dma_start3A_159, %dma_start3A_160] : memref<1000000x16xf32, #tpu.memory_space<hbm>> -> memref<1000000x16xf32, #tpu.memory_space<hbm>>
      tpu.enqueue_indirect_dma source(%dma_start3A_161 : memref<1000000x16xf32, #tpu.memory_space<hbm>>) target(%dma_start3A_155 : memref<128x16xf32, #tpu.memory_space<vmem>>) offsets(%dma_start3A_158 : memref<128xi32, #tpu.memory_space<vmem>>) semaphore(%arg14 : memref<!tpu.dma_semaphore, #tpu.memory_space<semaphore_mem>>)
      %dma_start3A_162 = arith.constant 6 : i32
      %dma_start3A_163 = arith.constant 768 : i32
      %dma_start3A_164 = arith.constant 0 : i32
      %dma_start3A_165 = tpu.memref_slice %arg10[%dma_start3A_163, %dma_start3A_164] : memref<1024x64xf32, #tpu.memory_space<vmem>> -> memref<128x64xf32, #tpu.memory_space<vmem>>
      %dma_start3A_166 = arith.constant 0 : i32
      %dma_start3A_167 = tpu.memref_slice %arg8[%dma_start3A_162, %dma_start3A_166] : memref<8x128xi32, #tpu.memory_space<vmem>> -> memref<1x128xi32, #tpu.memory_space<vmem>>
      %dma_start3A_168 = tpu.memref_squeeze %dma_start3A_167 : memref<1x128xi32, #tpu.memory_space<vmem>> -> memref<128xi32, #tpu.memory_space<vmem>>
      %dma_start3A_169 = arith.constant 0 : i32
      %dma_start3A_170 = arith.constant 0 : i32
      %dma_start3A_171 = tpu.memref_slice %arg4[%dma_start3A_169, %dma_start3A_170] : memref<1000000x64xf32, #tpu.memory_space<hbm>> -> memref<1000000x64xf32, #tpu.memory_space<hbm>>
      tpu.enqueue_indirect_dma source(%dma_start3A_171 : memref<1000000x64xf32, #tpu.memory_space<hbm>>) target(%dma_start3A_165 : memref<128x64xf32, #tpu.memory_space<vmem>>) offsets(%dma_start3A_168 : memref<128xi32, #tpu.memory_space<vmem>>) semaphore(%arg13 : memref<!tpu.dma_semaphore, #tpu.memory_space<semaphore_mem>>)
      %dma_start3A_172 = arith.constant 6 : i32
      %dma_start3A_173 = arith.constant 768 : i32
      %dma_start3A_174 = arith.constant 0 : i32
      %dma_start3A_175 = tpu.memref_slice %arg11[%dma_start3A_173, %dma_start3A_174] : memref<1024x16xf32, #tpu.memory_space<vmem>> -> memref<128x16xf32, #tpu.memory_space<vmem>>
      %dma_start3A_176 = arith.constant 0 : i32
      %dma_start3A_177 = tpu.memref_slice %arg9[%dma_start3A_172, %dma_start3A_176] : memref<8x128xi32, #tpu.memory_space<vmem>> -> memref<1x128xi32, #tpu.memory_space<vmem>>
      %dma_start3A_178 = tpu.memref_squeeze %dma_start3A_177 : memref<1x128xi32, #tpu.memory_space<vmem>> -> memref<128xi32, #tpu.memory_space<vmem>>
      %dma_start3A_179 = arith.constant 0 : i32
      %dma_start3A_180 = arith.constant 0 : i32
      %dma_start3A_181 = tpu.memref_slice %arg5[%dma_start3A_179, %dma_start3A_180] : memref<1000000x16xf32, #tpu.memory_space<hbm>> -> memref<1000000x16xf32, #tpu.memory_space<hbm>>
      tpu.enqueue_indirect_dma source(%dma_start3A_181 : memref<1000000x16xf32, #tpu.memory_space<hbm>>) target(%dma_start3A_175 : memref<128x16xf32, #tpu.memory_space<vmem>>) offsets(%dma_start3A_178 : memref<128xi32, #tpu.memory_space<vmem>>) semaphore(%arg14 : memref<!tpu.dma_semaphore, #tpu.memory_space<semaphore_mem>>)
      %dma_start3A_182 = arith.constant 7 : i32
      %dma_start3A_183 = arith.constant 896 : i32
      %dma_start3A_184 = arith.constant 0 : i32
      %dma_start3A_185 = tpu.memref_slice %arg10[%dma_start3A_183, %dma_start3A_184] : memref<1024x64xf32, #tpu.memory_space<vmem>> -> memref<128x64xf32, #tpu.memory_space<vmem>>
      %dma_start3A_186 = arith.constant 0 : i32
      %dma_start3A_187 = tpu.memref_slice %arg8[%dma_start3A_182, %dma_start3A_186] : memref<8x128xi32, #tpu.memory_space<vmem>> -> memref<1x128xi32, #tpu.memory_space<vmem>>
      %dma_start3A_188 = tpu.memref_squeeze %dma_start3A_187 : memref<1x128xi32, #tpu.memory_space<vmem>> -> memref<128xi32, #tpu.memory_space<vmem>>
      %dma_start3A_189 = arith.constant 0 : i32
      %dma_start3A_190 = arith.constant 0 : i32
      %dma_start3A_191 = tpu.memref_slice %arg4[%dma_start3A_189, %dma_start3A_190] : memref<1000000x64xf32, #tpu.memory_space<hbm>> -> memref<1000000x64xf32, #tpu.memory_space<hbm>>
      tpu.enqueue_indirect_dma source(%dma_start3A_191 : memref<1000000x64xf32, #tpu.memory_space<hbm>>) target(%dma_start3A_185 : memref<128x64xf32, #tpu.memory_space<vmem>>) offsets(%dma_start3A_188 : memref<128xi32, #tpu.memory_space<vmem>>) semaphore(%arg13 : memref<!tpu.dma_semaphore, #tpu.memory_space<semaphore_mem>>)
      %dma_start3A_192 = arith.constant 7 : i32
      %dma_start3A_193 = arith.constant 896 : i32
      %dma_start3A_194 = arith.constant 0 : i32
      %dma_start3A_195 = tpu.memref_slice %arg11[%dma_start3A_193, %dma_start3A_194] : memref<1024x16xf32, #tpu.memory_space<vmem>> -> memref<128x16xf32, #tpu.memory_space<vmem>>
      %dma_start3A_196 = arith.constant 0 : i32
      %dma_start3A_197 = tpu.memref_slice %arg9[%dma_start3A_192, %dma_start3A_196] : memref<8x128xi32, #tpu.memory_space<vmem>> -> memref<1x128xi32, #tpu.memory_space<vmem>>
      %dma_start3A_198 = tpu.memref_squeeze %dma_start3A_197 : memref<1x128xi32, #tpu.memory_space<vmem>> -> memref<128xi32, #tpu.memory_space<vmem>>
      %dma_start3A_199 = arith.constant 0 : i32
      %dma_start3A_200 = arith.constant 0 : i32
      %dma_start3A_201 = tpu.memref_slice %arg5[%dma_start3A_199, %dma_start3A_200] : memref<1000000x16xf32, #tpu.memory_space<hbm>> -> memref<1000000x16xf32, #tpu.memory_space<hbm>>
      tpu.enqueue_indirect_dma source(%dma_start3A_201 : memref<1000000x16xf32, #tpu.memory_space<hbm>>) target(%dma_start3A_195 : memref<128x16xf32, #tpu.memory_space<vmem>>) offsets(%dma_start3A_198 : memref<128xi32, #tpu.memory_space<vmem>>) semaphore(%arg14 : memref<!tpu.dma_semaphore, #tpu.memory_space<semaphore_mem>>)
      %dma_wait3A_202 = arith.constant 0 : i32
      %dma_wait3A_203 = arith.constant 0 : i32
      %dma_wait3A_204 = arith.constant 0 : i32
      %dma_wait3A_205 = tpu.memref_slice %arg10[%dma_wait3A_203, %dma_wait3A_204] : memref<1024x64xf32, #tpu.memory_space<vmem>> -> memref<128x64xf32, #tpu.memory_space<vmem>>
      %dma_wait3A_206 = arith.constant 0 : i32
      %dma_wait3A_207 = tpu.memref_slice %arg8[%dma_wait3A_202, %dma_wait3A_206] : memref<8x128xi32, #tpu.memory_space<vmem>> -> memref<1x128xi32, #tpu.memory_space<vmem>>
      %dma_wait3A_208 = tpu.memref_squeeze %dma_wait3A_207 : memref<1x128xi32, #tpu.memory_space<vmem>> -> memref<128xi32, #tpu.memory_space<vmem>>
      %dma_wait3A_209 = arith.constant 0 : i32
      %dma_wait3A_210 = arith.constant 0 : i32
      %dma_wait3A_211 = tpu.memref_slice %arg4[%dma_wait3A_209, %dma_wait3A_210] : memref<1000000x64xf32, #tpu.memory_space<hbm>> -> memref<1000000x64xf32, #tpu.memory_space<hbm>>
      tpu.wait_indirect_dma semaphore(%arg13 : memref<!tpu.dma_semaphore, #tpu.memory_space<semaphore_mem>>) src(%dma_wait3A_211 : memref<1000000x64xf32, #tpu.memory_space<hbm>>) dst(%dma_wait3A_205 : memref<128x64xf32, #tpu.memory_space<vmem>>)
      %dma_wait3A_212 = arith.constant 0 : i32
      %dma_wait3A_213 = arith.constant 0 : i32
      %dma_wait3A_214 = arith.constant 0 : i32
      %dma_wait3A_215 = tpu.memref_slice %arg11[%dma_wait3A_213, %dma_wait3A_214] : memref<1024x16xf32, #tpu.memory_space<vmem>> -> memref<128x16xf32, #tpu.memory_space<vmem>>
      %dma_wait3A_216 = arith.constant 0 : i32
      %dma_wait3A_217 = tpu.memref_slice %arg9[%dma_wait3A_212, %dma_wait3A_216] : memref<8x128xi32, #tpu.memory_space<vmem>> -> memref<1x128xi32, #tpu.memory_space<vmem>>
      %dma_wait3A_218 = tpu.memref_squeeze %dma_wait3A_217 : memref<1x128xi32, #tpu.memory_space<vmem>> -> memref<128xi32, #tpu.memory_space<vmem>>
      %dma_wait3A_219 = arith.constant 0 : i32
      %dma_wait3A_220 = arith.constant 0 : i32
      %dma_wait3A_221 = tpu.memref_slice %arg5[%dma_wait3A_219, %dma_wait3A_220] : memref<1000000x16xf32, #tpu.memory_space<hbm>> -> memref<1000000x16xf32, #tpu.memory_space<hbm>>
      tpu.wait_indirect_dma semaphore(%arg14 : memref<!tpu.dma_semaphore, #tpu.memory_space<semaphore_mem>>) src(%dma_wait3A_221 : memref<1000000x16xf32, #tpu.memory_space<hbm>>) dst(%dma_wait3A_215 : memref<128x16xf32, #tpu.memory_space<vmem>>)
      %dma_wait3A_222 = arith.constant 1 : i32
      %dma_wait3A_223 = arith.constant 128 : i32
      %dma_wait3A_224 = arith.constant 0 : i32
      %dma_wait3A_225 = tpu.memref_slice %arg10[%dma_wait3A_223, %dma_wait3A_224] : memref<1024x64xf32, #tpu.memory_space<vmem>> -> memref<128x64xf32, #tpu.memory_space<vmem>>
      %dma_wait3A_226 = arith.constant 0 : i32
      %dma_wait3A_227 = tpu.memref_slice %arg8[%dma_wait3A_222, %dma_wait3A_226] : memref<8x128xi32, #tpu.memory_space<vmem>> -> memref<1x128xi32, #tpu.memory_space<vmem>>
      %dma_wait3A_228 = tpu.memref_squeeze %dma_wait3A_227 : memref<1x128xi32, #tpu.memory_space<vmem>> -> memref<128xi32, #tpu.memory_space<vmem>>
      %dma_wait3A_229 = arith.constant 0 : i32
      %dma_wait3A_230 = arith.constant 0 : i32
      %dma_wait3A_231 = tpu.memref_slice %arg4[%dma_wait3A_229, %dma_wait3A_230] : memref<1000000x64xf32, #tpu.memory_space<hbm>> -> memref<1000000x64xf32, #tpu.memory_space<hbm>>
      tpu.wait_indirect_dma semaphore(%arg13 : memref<!tpu.dma_semaphore, #tpu.memory_space<semaphore_mem>>) src(%dma_wait3A_231 : memref<1000000x64xf32, #tpu.memory_space<hbm>>) dst(%dma_wait3A_225 : memref<128x64xf32, #tpu.memory_space<vmem>>)
      %dma_wait3A_232 = arith.constant 1 : i32
      %dma_wait3A_233 = arith.constant 128 : i32
      %dma_wait3A_234 = arith.constant 0 : i32
      %dma_wait3A_235 = tpu.memref_slice %arg11[%dma_wait3A_233, %dma_wait3A_234] : memref<1024x16xf32, #tpu.memory_space<vmem>> -> memref<128x16xf32, #tpu.memory_space<vmem>>
      %dma_wait3A_236 = arith.constant 0 : i32
      %dma_wait3A_237 = tpu.memref_slice %arg9[%dma_wait3A_232, %dma_wait3A_236] : memref<8x128xi32, #tpu.memory_space<vmem>> -> memref<1x128xi32, #tpu.memory_space<vmem>>
      %dma_wait3A_238 = tpu.memref_squeeze %dma_wait3A_237 : memref<1x128xi32, #tpu.memory_space<vmem>> -> memref<128xi32, #tpu.memory_space<vmem>>
      %dma_wait3A_239 = arith.constant 0 : i32
      %dma_wait3A_240 = arith.constant 0 : i32
      %dma_wait3A_241 = tpu.memref_slice %arg5[%dma_wait3A_239, %dma_wait3A_240] : memref<1000000x16xf32, #tpu.memory_space<hbm>> -> memref<1000000x16xf32, #tpu.memory_space<hbm>>
      tpu.wait_indirect_dma semaphore(%arg14 : memref<!tpu.dma_semaphore, #tpu.memory_space<semaphore_mem>>) src(%dma_wait3A_241 : memref<1000000x16xf32, #tpu.memory_space<hbm>>) dst(%dma_wait3A_235 : memref<128x16xf32, #tpu.memory_space<vmem>>)
      %dma_wait3A_242 = arith.constant 2 : i32
      %dma_wait3A_243 = arith.constant 256 : i32
      %dma_wait3A_244 = arith.constant 0 : i32
      %dma_wait3A_245 = tpu.memref_slice %arg10[%dma_wait3A_243, %dma_wait3A_244] : memref<1024x64xf32, #tpu.memory_space<vmem>> -> memref<128x64xf32, #tpu.memory_space<vmem>>
      %dma_wait3A_246 = arith.constant 0 : i32
      %dma_wait3A_247 = tpu.memref_slice %arg8[%dma_wait3A_242, %dma_wait3A_246] : memref<8x128xi32, #tpu.memory_space<vmem>> -> memref<1x128xi32, #tpu.memory_space<vmem>>
      %dma_wait3A_248 = tpu.memref_squeeze %dma_wait3A_247 : memref<1x128xi32, #tpu.memory_space<vmem>> -> memref<128xi32, #tpu.memory_space<vmem>>
      %dma_wait3A_249 = arith.constant 0 : i32
      %dma_wait3A_250 = arith.constant 0 : i32
      %dma_wait3A_251 = tpu.memref_slice %arg4[%dma_wait3A_249, %dma_wait3A_250] : memref<1000000x64xf32, #tpu.memory_space<hbm>> -> memref<1000000x64xf32, #tpu.memory_space<hbm>>
      tpu.wait_indirect_dma semaphore(%arg13 : memref<!tpu.dma_semaphore, #tpu.memory_space<semaphore_mem>>) src(%dma_wait3A_251 : memref<1000000x64xf32, #tpu.memory_space<hbm>>) dst(%dma_wait3A_245 : memref<128x64xf32, #tpu.memory_space<vmem>>)
      %dma_wait3A_252 = arith.constant 2 : i32
      %dma_wait3A_253 = arith.constant 256 : i32
      %dma_wait3A_254 = arith.constant 0 : i32
      %dma_wait3A_255 = tpu.memref_slice %arg11[%dma_wait3A_253, %dma_wait3A_254] : memref<1024x16xf32, #tpu.memory_space<vmem>> -> memref<128x16xf32, #tpu.memory_space<vmem>>
      %dma_wait3A_256 = arith.constant 0 : i32
      %dma_wait3A_257 = tpu.memref_slice %arg9[%dma_wait3A_252, %dma_wait3A_256] : memref<8x128xi32, #tpu.memory_space<vmem>> -> memref<1x128xi32, #tpu.memory_space<vmem>>
      %dma_wait3A_258 = tpu.memref_squeeze %dma_wait3A_257 : memref<1x128xi32, #tpu.memory_space<vmem>> -> memref<128xi32, #tpu.memory_space<vmem>>
      %dma_wait3A_259 = arith.constant 0 : i32
      %dma_wait3A_260 = arith.constant 0 : i32
      %dma_wait3A_261 = tpu.memref_slice %arg5[%dma_wait3A_259, %dma_wait3A_260] : memref<1000000x16xf32, #tpu.memory_space<hbm>> -> memref<1000000x16xf32, #tpu.memory_space<hbm>>
      tpu.wait_indirect_dma semaphore(%arg14 : memref<!tpu.dma_semaphore, #tpu.memory_space<semaphore_mem>>) src(%dma_wait3A_261 : memref<1000000x16xf32, #tpu.memory_space<hbm>>) dst(%dma_wait3A_255 : memref<128x16xf32, #tpu.memory_space<vmem>>)
      %dma_wait3A_262 = arith.constant 3 : i32
      %dma_wait3A_263 = arith.constant 384 : i32
      %dma_wait3A_264 = arith.constant 0 : i32
      %dma_wait3A_265 = tpu.memref_slice %arg10[%dma_wait3A_263, %dma_wait3A_264] : memref<1024x64xf32, #tpu.memory_space<vmem>> -> memref<128x64xf32, #tpu.memory_space<vmem>>
      %dma_wait3A_266 = arith.constant 0 : i32
      %dma_wait3A_267 = tpu.memref_slice %arg8[%dma_wait3A_262, %dma_wait3A_266] : memref<8x128xi32, #tpu.memory_space<vmem>> -> memref<1x128xi32, #tpu.memory_space<vmem>>
      %dma_wait3A_268 = tpu.memref_squeeze %dma_wait3A_267 : memref<1x128xi32, #tpu.memory_space<vmem>> -> memref<128xi32, #tpu.memory_space<vmem>>
      %dma_wait3A_269 = arith.constant 0 : i32
      %dma_wait3A_270 = arith.constant 0 : i32
      %dma_wait3A_271 = tpu.memref_slice %arg4[%dma_wait3A_269, %dma_wait3A_270] : memref<1000000x64xf32, #tpu.memory_space<hbm>> -> memref<1000000x64xf32, #tpu.memory_space<hbm>>
      tpu.wait_indirect_dma semaphore(%arg13 : memref<!tpu.dma_semaphore, #tpu.memory_space<semaphore_mem>>) src(%dma_wait3A_271 : memref<1000000x64xf32, #tpu.memory_space<hbm>>) dst(%dma_wait3A_265 : memref<128x64xf32, #tpu.memory_space<vmem>>)
      %dma_wait3A_272 = arith.constant 3 : i32
      %dma_wait3A_273 = arith.constant 384 : i32
      %dma_wait3A_274 = arith.constant 0 : i32
      %dma_wait3A_275 = tpu.memref_slice %arg11[%dma_wait3A_273, %dma_wait3A_274] : memref<1024x16xf32, #tpu.memory_space<vmem>> -> memref<128x16xf32, #tpu.memory_space<vmem>>
      %dma_wait3A_276 = arith.constant 0 : i32
      %dma_wait3A_277 = tpu.memref_slice %arg9[%dma_wait3A_272, %dma_wait3A_276] : memref<8x128xi32, #tpu.memory_space<vmem>> -> memref<1x128xi32, #tpu.memory_space<vmem>>
      %dma_wait3A_278 = tpu.memref_squeeze %dma_wait3A_277 : memref<1x128xi32, #tpu.memory_space<vmem>> -> memref<128xi32, #tpu.memory_space<vmem>>
      %dma_wait3A_279 = arith.constant 0 : i32
      %dma_wait3A_280 = arith.constant 0 : i32
      %dma_wait3A_281 = tpu.memref_slice %arg5[%dma_wait3A_279, %dma_wait3A_280] : memref<1000000x16xf32, #tpu.memory_space<hbm>> -> memref<1000000x16xf32, #tpu.memory_space<hbm>>
      tpu.wait_indirect_dma semaphore(%arg14 : memref<!tpu.dma_semaphore, #tpu.memory_space<semaphore_mem>>) src(%dma_wait3A_281 : memref<1000000x16xf32, #tpu.memory_space<hbm>>) dst(%dma_wait3A_275 : memref<128x16xf32, #tpu.memory_space<vmem>>)
      %dma_wait3A_282 = arith.constant 4 : i32
      %dma_wait3A_283 = arith.constant 512 : i32
      %dma_wait3A_284 = arith.constant 0 : i32
      %dma_wait3A_285 = tpu.memref_slice %arg10[%dma_wait3A_283, %dma_wait3A_284] : memref<1024x64xf32, #tpu.memory_space<vmem>> -> memref<128x64xf32, #tpu.memory_space<vmem>>
      %dma_wait3A_286 = arith.constant 0 : i32
      %dma_wait3A_287 = tpu.memref_slice %arg8[%dma_wait3A_282, %dma_wait3A_286] : memref<8x128xi32, #tpu.memory_space<vmem>> -> memref<1x128xi32, #tpu.memory_space<vmem>>
      %dma_wait3A_288 = tpu.memref_squeeze %dma_wait3A_287 : memref<1x128xi32, #tpu.memory_space<vmem>> -> memref<128xi32, #tpu.memory_space<vmem>>
      %dma_wait3A_289 = arith.constant 0 : i32
      %dma_wait3A_290 = arith.constant 0 : i32
      %dma_wait3A_291 = tpu.memref_slice %arg4[%dma_wait3A_289, %dma_wait3A_290] : memref<1000000x64xf32, #tpu.memory_space<hbm>> -> memref<1000000x64xf32, #tpu.memory_space<hbm>>
      tpu.wait_indirect_dma semaphore(%arg13 : memref<!tpu.dma_semaphore, #tpu.memory_space<semaphore_mem>>) src(%dma_wait3A_291 : memref<1000000x64xf32, #tpu.memory_space<hbm>>) dst(%dma_wait3A_285 : memref<128x64xf32, #tpu.memory_space<vmem>>)
      %dma_wait3A_292 = arith.constant 4 : i32
      %dma_wait3A_293 = arith.constant 512 : i32
      %dma_wait3A_294 = arith.constant 0 : i32
      %dma_wait3A_295 = tpu.memref_slice %arg11[%dma_wait3A_293, %dma_wait3A_294] : memref<1024x16xf32, #tpu.memory_space<vmem>> -> memref<128x16xf32, #tpu.memory_space<vmem>>
      %dma_wait3A_296 = arith.constant 0 : i32
      %dma_wait3A_297 = tpu.memref_slice %arg9[%dma_wait3A_292, %dma_wait3A_296] : memref<8x128xi32, #tpu.memory_space<vmem>> -> memref<1x128xi32, #tpu.memory_space<vmem>>
      %dma_wait3A_298 = tpu.memref_squeeze %dma_wait3A_297 : memref<1x128xi32, #tpu.memory_space<vmem>> -> memref<128xi32, #tpu.memory_space<vmem>>
      %dma_wait3A_299 = arith.constant 0 : i32
      %dma_wait3A_300 = arith.constant 0 : i32
      %dma_wait3A_301 = tpu.memref_slice %arg5[%dma_wait3A_299, %dma_wait3A_300] : memref<1000000x16xf32, #tpu.memory_space<hbm>> -> memref<1000000x16xf32, #tpu.memory_space<hbm>>
      tpu.wait_indirect_dma semaphore(%arg14 : memref<!tpu.dma_semaphore, #tpu.memory_space<semaphore_mem>>) src(%dma_wait3A_301 : memref<1000000x16xf32, #tpu.memory_space<hbm>>) dst(%dma_wait3A_295 : memref<128x16xf32, #tpu.memory_space<vmem>>)
      %dma_wait3A_302 = arith.constant 5 : i32
      %dma_wait3A_303 = arith.constant 640 : i32
      %dma_wait3A_304 = arith.constant 0 : i32
      %dma_wait3A_305 = tpu.memref_slice %arg10[%dma_wait3A_303, %dma_wait3A_304] : memref<1024x64xf32, #tpu.memory_space<vmem>> -> memref<128x64xf32, #tpu.memory_space<vmem>>
      %dma_wait3A_306 = arith.constant 0 : i32
      %dma_wait3A_307 = tpu.memref_slice %arg8[%dma_wait3A_302, %dma_wait3A_306] : memref<8x128xi32, #tpu.memory_space<vmem>> -> memref<1x128xi32, #tpu.memory_space<vmem>>
      %dma_wait3A_308 = tpu.memref_squeeze %dma_wait3A_307 : memref<1x128xi32, #tpu.memory_space<vmem>> -> memref<128xi32, #tpu.memory_space<vmem>>
      %dma_wait3A_309 = arith.constant 0 : i32
      %dma_wait3A_310 = arith.constant 0 : i32
      %dma_wait3A_311 = tpu.memref_slice %arg4[%dma_wait3A_309, %dma_wait3A_310] : memref<1000000x64xf32, #tpu.memory_space<hbm>> -> memref<1000000x64xf32, #tpu.memory_space<hbm>>
      tpu.wait_indirect_dma semaphore(%arg13 : memref<!tpu.dma_semaphore, #tpu.memory_space<semaphore_mem>>) src(%dma_wait3A_311 : memref<1000000x64xf32, #tpu.memory_space<hbm>>) dst(%dma_wait3A_305 : memref<128x64xf32, #tpu.memory_space<vmem>>)
      %dma_wait3A_312 = arith.constant 5 : i32
      %dma_wait3A_313 = arith.constant 640 : i32
      %dma_wait3A_314 = arith.constant 0 : i32
      %dma_wait3A_315 = tpu.memref_slice %arg11[%dma_wait3A_313, %dma_wait3A_314] : memref<1024x16xf32, #tpu.memory_space<vmem>> -> memref<128x16xf32, #tpu.memory_space<vmem>>
      %dma_wait3A_316 = arith.constant 0 : i32
      %dma_wait3A_317 = tpu.memref_slice %arg9[%dma_wait3A_312, %dma_wait3A_316] : memref<8x128xi32, #tpu.memory_space<vmem>> -> memref<1x128xi32, #tpu.memory_space<vmem>>
      %dma_wait3A_318 = tpu.memref_squeeze %dma_wait3A_317 : memref<1x128xi32, #tpu.memory_space<vmem>> -> memref<128xi32, #tpu.memory_space<vmem>>
      %dma_wait3A_319 = arith.constant 0 : i32
      %dma_wait3A_320 = arith.constant 0 : i32
      %dma_wait3A_321 = tpu.memref_slice %arg5[%dma_wait3A_319, %dma_wait3A_320] : memref<1000000x16xf32, #tpu.memory_space<hbm>> -> memref<1000000x16xf32, #tpu.memory_space<hbm>>
      tpu.wait_indirect_dma semaphore(%arg14 : memref<!tpu.dma_semaphore, #tpu.memory_space<semaphore_mem>>) src(%dma_wait3A_321 : memref<1000000x16xf32, #tpu.memory_space<hbm>>) dst(%dma_wait3A_315 : memref<128x16xf32, #tpu.memory_space<vmem>>)
      %dma_wait3A_322 = arith.constant 6 : i32
      %dma_wait3A_323 = arith.constant 768 : i32
      %dma_wait3A_324 = arith.constant 0 : i32
      %dma_wait3A_325 = tpu.memref_slice %arg10[%dma_wait3A_323, %dma_wait3A_324] : memref<1024x64xf32, #tpu.memory_space<vmem>> -> memref<128x64xf32, #tpu.memory_space<vmem>>
      %dma_wait3A_326 = arith.constant 0 : i32
      %dma_wait3A_327 = tpu.memref_slice %arg8[%dma_wait3A_322, %dma_wait3A_326] : memref<8x128xi32, #tpu.memory_space<vmem>> -> memref<1x128xi32, #tpu.memory_space<vmem>>
      %dma_wait3A_328 = tpu.memref_squeeze %dma_wait3A_327 : memref<1x128xi32, #tpu.memory_space<vmem>> -> memref<128xi32, #tpu.memory_space<vmem>>
      %dma_wait3A_329 = arith.constant 0 : i32
      %dma_wait3A_330 = arith.constant 0 : i32
      %dma_wait3A_331 = tpu.memref_slice %arg4[%dma_wait3A_329, %dma_wait3A_330] : memref<1000000x64xf32, #tpu.memory_space<hbm>> -> memref<1000000x64xf32, #tpu.memory_space<hbm>>
      tpu.wait_indirect_dma semaphore(%arg13 : memref<!tpu.dma_semaphore, #tpu.memory_space<semaphore_mem>>) src(%dma_wait3A_331 : memref<1000000x64xf32, #tpu.memory_space<hbm>>) dst(%dma_wait3A_325 : memref<128x64xf32, #tpu.memory_space<vmem>>)
      %dma_wait3A_332 = arith.constant 6 : i32
      %dma_wait3A_333 = arith.constant 768 : i32
      %dma_wait3A_334 = arith.constant 0 : i32
      %dma_wait3A_335 = tpu.memref_slice %arg11[%dma_wait3A_333, %dma_wait3A_334] : memref<1024x16xf32, #tpu.memory_space<vmem>> -> memref<128x16xf32, #tpu.memory_space<vmem>>
      %dma_wait3A_336 = arith.constant 0 : i32
      %dma_wait3A_337 = tpu.memref_slice %arg9[%dma_wait3A_332, %dma_wait3A_336] : memref<8x128xi32, #tpu.memory_space<vmem>> -> memref<1x128xi32, #tpu.memory_space<vmem>>
      %dma_wait3A_338 = tpu.memref_squeeze %dma_wait3A_337 : memref<1x128xi32, #tpu.memory_space<vmem>> -> memref<128xi32, #tpu.memory_space<vmem>>
      %dma_wait3A_339 = arith.constant 0 : i32
      %dma_wait3A_340 = arith.constant 0 : i32
      %dma_wait3A_341 = tpu.memref_slice %arg5[%dma_wait3A_339, %dma_wait3A_340] : memref<1000000x16xf32, #tpu.memory_space<hbm>> -> memref<1000000x16xf32, #tpu.memory_space<hbm>>
      tpu.wait_indirect_dma semaphore(%arg14 : memref<!tpu.dma_semaphore, #tpu.memory_space<semaphore_mem>>) src(%dma_wait3A_341 : memref<1000000x16xf32, #tpu.memory_space<hbm>>) dst(%dma_wait3A_335 : memref<128x16xf32, #tpu.memory_space<vmem>>)
      %dma_wait3A_342 = arith.constant 7 : i32
      %dma_wait3A_343 = arith.constant 896 : i32
      %dma_wait3A_344 = arith.constant 0 : i32
      %dma_wait3A_345 = tpu.memref_slice %arg10[%dma_wait3A_343, %dma_wait3A_344] : memref<1024x64xf32, #tpu.memory_space<vmem>> -> memref<128x64xf32, #tpu.memory_space<vmem>>
      %dma_wait3A_346 = arith.constant 0 : i32
      %dma_wait3A_347 = tpu.memref_slice %arg8[%dma_wait3A_342, %dma_wait3A_346] : memref<8x128xi32, #tpu.memory_space<vmem>> -> memref<1x128xi32, #tpu.memory_space<vmem>>
      %dma_wait3A_348 = tpu.memref_squeeze %dma_wait3A_347 : memref<1x128xi32, #tpu.memory_space<vmem>> -> memref<128xi32, #tpu.memory_space<vmem>>
      %dma_wait3A_349 = arith.constant 0 : i32
      %dma_wait3A_350 = arith.constant 0 : i32
      %dma_wait3A_351 = tpu.memref_slice %arg4[%dma_wait3A_349, %dma_wait3A_350] : memref<1000000x64xf32, #tpu.memory_space<hbm>> -> memref<1000000x64xf32, #tpu.memory_space<hbm>>
      tpu.wait_indirect_dma semaphore(%arg13 : memref<!tpu.dma_semaphore, #tpu.memory_space<semaphore_mem>>) src(%dma_wait3A_351 : memref<1000000x64xf32, #tpu.memory_space<hbm>>) dst(%dma_wait3A_345 : memref<128x64xf32, #tpu.memory_space<vmem>>)
      %dma_wait3A_352 = arith.constant 7 : i32
      %dma_wait3A_353 = arith.constant 896 : i32
      %dma_wait3A_354 = arith.constant 0 : i32
      %dma_wait3A_355 = tpu.memref_slice %arg11[%dma_wait3A_353, %dma_wait3A_354] : memref<1024x16xf32, #tpu.memory_space<vmem>> -> memref<128x16xf32, #tpu.memory_space<vmem>>
      %dma_wait3A_356 = arith.constant 0 : i32
      %dma_wait3A_357 = tpu.memref_slice %arg9[%dma_wait3A_352, %dma_wait3A_356] : memref<8x128xi32, #tpu.memory_space<vmem>> -> memref<1x128xi32, #tpu.memory_space<vmem>>
      %dma_wait3A_358 = tpu.memref_squeeze %dma_wait3A_357 : memref<1x128xi32, #tpu.memory_space<vmem>> -> memref<128xi32, #tpu.memory_space<vmem>>
      %dma_wait3A_359 = arith.constant 0 : i32
      %dma_wait3A_360 = arith.constant 0 : i32
      %dma_wait3A_361 = tpu.memref_slice %arg5[%dma_wait3A_359, %dma_wait3A_360] : memref<1000000x16xf32, #tpu.memory_space<hbm>> -> memref<1000000x16xf32, #tpu.memory_space<hbm>>
      tpu.wait_indirect_dma semaphore(%arg14 : memref<!tpu.dma_semaphore, #tpu.memory_space<semaphore_mem>>) src(%dma_wait3A_361 : memref<1000000x16xf32, #tpu.memory_space<hbm>>) dst(%dma_wait3A_355 : memref<128x16xf32, #tpu.memory_space<vmem>>)
      %jit3A_362 = arith.constant 16384 : i32
      %div3A_363 = arith.divsi %add3A_11, %jit3A_362 : i32
      %sign3A_364 = arith.constant 0 : i32
      %sign3A_365 = arith.cmpi sgt, %add3A_11, %sign3A_364 : i32
      %sign3A_366 = arith.extui %sign3A_365 : i1 to i32
      %sign3A_367 = arith.constant 0 : i32
      %sign3A_368 = arith.cmpi slt, %add3A_11, %sign3A_367 : i32
      %sign3A_369 = arith.extui %sign3A_368 : i1 to i32
      %sign3A_370 = arith.subi %sign3A_366, %sign3A_369 : i32
      %sign3A_371 = arith.constant 0 : i32
      %sign3A_372 = arith.cmpi sgt, %jit3A_362, %sign3A_371 : i32
      %sign3A_373 = arith.extui %sign3A_372 : i1 to i32
      %sign3A_374 = arith.constant 0 : i32
      %sign3A_375 = arith.cmpi slt, %jit3A_362, %sign3A_374 : i32
      %sign3A_376 = arith.extui %sign3A_375 : i1 to i32
      %sign3A_377 = arith.subi %sign3A_373, %sign3A_376 : i32
      %ne3A_378 = arith.cmpi ne, %sign3A_370, %sign3A_377 : i32
      %rem3A_379 = arith.remsi %add3A_11, %jit3A_362 : i32
      %ne3A_380 = arith.constant 0 : i32
      %ne3A_381 = arith.cmpi ne, %rem3A_379, %ne3A_380 : i32
      %and3A_382 = arith.andi %ne3A_378, %ne3A_381 : i1
      %sub3A_383 = arith.constant 1 : i32
      %sub3A_384 = arith.subi %div3A_363, %sub3A_383 : i32
      %select_n3A_385 = arith.select %and3A_382, %sub3A_384, %div3A_363 : i32
      %mul3A_386 = arith.constant 16384 : i32
      %mul3A_387 = arith.muli %select_n3A_385, %mul3A_386 : i32
      %sub3A_388 = arith.subi %add3A_11, %mul3A_387 : i32
      %jit3A_389 = arith.constant 1024 : i32
      %div3A_390 = arith.divsi %sub3A_388, %jit3A_389 : i32
      %sign3A_391 = arith.constant 0 : i32
      %sign3A_392 = arith.cmpi sgt, %sub3A_388, %sign3A_391 : i32
      %sign3A_393 = arith.extui %sign3A_392 : i1 to i32
      %sign3A_394 = arith.constant 0 : i32
      %sign3A_395 = arith.cmpi slt, %sub3A_388, %sign3A_394 : i32
      %sign3A_396 = arith.extui %sign3A_395 : i1 to i32
      %sign3A_397 = arith.subi %sign3A_393, %sign3A_396 : i32
      %sign3A_398 = arith.constant 0 : i32
      %sign3A_399 = arith.cmpi sgt, %jit3A_389, %sign3A_398 : i32
      %sign3A_400 = arith.extui %sign3A_399 : i1 to i32
      %sign3A_401 = arith.constant 0 : i32
      %sign3A_402 = arith.cmpi slt, %jit3A_389, %sign3A_401 : i32
      %sign3A_403 = arith.extui %sign3A_402 : i1 to i32
      %sign3A_404 = arith.subi %sign3A_400, %sign3A_403 : i32
      %ne3A_405 = arith.cmpi ne, %sign3A_397, %sign3A_404 : i32
      %rem3A_406 = arith.remsi %sub3A_388, %jit3A_389 : i32
      %ne3A_407 = arith.constant 0 : i32
      %ne3A_408 = arith.cmpi ne, %rem3A_406, %ne3A_407 : i32
      %and3A_409 = arith.andi %ne3A_405, %ne3A_408 : i1
      %sub3A_410 = arith.constant 1 : i32
      %sub3A_411 = arith.subi %div3A_390, %sub3A_410 : i32
      %select_n3A_412 = arith.select %and3A_409, %sub3A_411, %div3A_390 : i32
      %jit3A_413 = arith.constant 2 : i32
      %eq3A = arith.constant 0 : i32
      %eq3A_414 = arith.cmpi eq, %jit3A_413, %eq3A : i32
      %jit3A_415 = arith.constant 1 : i32
      %select_n3A_416 = arith.select %eq3A_414, %jit3A_415, %jit3A_413 : i32
      %rem3A_417 = arith.remsi %select_n3A_412, %select_n3A_416 : i32
      %ne3A_418 = arith.constant 0 : i32
      %ne3A_419 = arith.cmpi ne, %rem3A_417, %ne3A_418 : i32
      %lt3A = arith.constant 0 : i32
      %lt3A_420 = arith.cmpi slt, %rem3A_417, %lt3A : i32
      %lt3A_421 = arith.constant 0 : i32
      %lt3A_422 = arith.cmpi slt, %select_n3A_416, %lt3A_421 : i32
      %ne3A_423 = arith.xori %lt3A_420, %lt3A_422 : i1
      %and3A_424 = arith.andi %ne3A_423, %ne3A_419 : i1
      %add3A_425 = arith.addi %rem3A_417, %select_n3A_416 : i32
      %select_n3A_426 = arith.select %and3A_424, %add3A_425, %rem3A_417 : i32
      %mul3A_427 = arith.constant 8192 : i32
      %mul3A_428 = arith.muli %select_n3A_385, %mul3A_427 : i32
      %jit3A_429 = arith.constant 2048 : i32
      %div3A_430 = arith.divsi %sub3A_388, %jit3A_429 : i32
      %sign3A_431 = arith.constant 0 : i32
      %sign3A_432 = arith.cmpi sgt, %sub3A_388, %sign3A_431 : i32
      %sign3A_433 = arith.extui %sign3A_432 : i1 to i32
      %sign3A_434 = arith.constant 0 : i32
      %sign3A_435 = arith.cmpi slt, %sub3A_388, %sign3A_434 : i32
      %sign3A_436 = arith.extui %sign3A_435 : i1 to i32
      %sign3A_437 = arith.subi %sign3A_433, %sign3A_436 : i32
      %sign3A_438 = arith.constant 0 : i32
      %sign3A_439 = arith.cmpi sgt, %jit3A_429, %sign3A_438 : i32
      %sign3A_440 = arith.extui %sign3A_439 : i1 to i32
      %sign3A_441 = arith.constant 0 : i32
      %sign3A_442 = arith.cmpi slt, %jit3A_429, %sign3A_441 : i32
      %sign3A_443 = arith.extui %sign3A_442 : i1 to i32
      %sign3A_444 = arith.subi %sign3A_440, %sign3A_443 : i32
      %ne3A_445 = arith.cmpi ne, %sign3A_437, %sign3A_444 : i32
      %rem3A_446 = arith.remsi %sub3A_388, %jit3A_429 : i32
      %ne3A_447 = arith.constant 0 : i32
      %ne3A_448 = arith.cmpi ne, %rem3A_446, %ne3A_447 : i32
      %and3A_449 = arith.andi %ne3A_445, %ne3A_448 : i1
      %sub3A_450 = arith.constant 1 : i32
      %sub3A_451 = arith.subi %div3A_430, %sub3A_450 : i32
      %select_n3A_452 = arith.select %and3A_449, %sub3A_451, %div3A_430 : i32
      %mul3A_453 = arith.constant 1024 : i32
      %mul3A_454 = arith.muli %select_n3A_452, %mul3A_453 : i32
      %add3A_455 = arith.addi %mul3A_428, %mul3A_454 : i32
      %mul3A_456 = arith.constant 64 : i32
      %mul3A_457 = arith.muli %select_n3A_426, %mul3A_456 : i32
      "tpu.region"() ({
        %run_scoped3A = tpu.sem_alloc : memref<!tpu.dma_semaphore, #tpu.memory_space<semaphore_mem>>
        %dma_start3A_458 = tpu.memref_slice %arg6[%add3A_455, %mul3A_457] : memref<409600x128xf32, #tpu.memory_space<hbm>> -> memref<1024x64xf32, #tpu.memory_space<hbm>>
        %dma_start3A_459 = tpu.memref_slice %arg6[%add3A_455, %mul3A_457] : memref<409600x128xf32, #tpu.memory_space<hbm>> -> memref<1024x64xf32, #tpu.memory_space<hbm>>
        tpu.enqueue_dma source(%arg10 : memref<1024x64xf32, #tpu.memory_space<vmem>>) target(%dma_start3A_459 : memref<1024x64xf32, #tpu.memory_space<hbm>>) target_semaphore(%run_scoped3A : memref<!tpu.dma_semaphore, #tpu.memory_space<semaphore_mem>>)
        %dma_wait3A_460 = tpu.memref_slice %arg6[%add3A_455, %mul3A_457] : memref<409600x128xf32, #tpu.memory_space<hbm>> -> memref<1024x64xf32, #tpu.memory_space<hbm>>
        %dma_wait3A_461 = tpu.memref_slice %arg6[%add3A_455, %mul3A_457] : memref<409600x128xf32, #tpu.memory_space<hbm>> -> memref<1024x64xf32, #tpu.memory_space<hbm>>
        tpu.wait_dma2 semaphore(%run_scoped3A : memref<!tpu.dma_semaphore, #tpu.memory_space<semaphore_mem>>) src(%arg10 : memref<1024x64xf32, #tpu.memory_space<vmem>>) dst(%dma_wait3A_461 : memref<1024x64xf32, #tpu.memory_space<hbm>>)
        tpu.yield
      }) : () -> ()
      "tpu.region"() ({
        %run_scoped3A = tpu.sem_alloc : memref<!tpu.dma_semaphore, #tpu.memory_space<semaphore_mem>>
        %dma_start3A_458 = arith.constant 0 : i32
        %dma_start3A_459 = tpu.memref_slice %arg7[%add3A_11, %dma_start3A_458] : memref<819200x16xf32, #tpu.memory_space<hbm>> -> memref<1024x16xf32, #tpu.memory_space<hbm>>
        %dma_start3A_460 = arith.constant 0 : i32
        %dma_start3A_461 = tpu.memref_slice %arg7[%add3A_11, %dma_start3A_460] : memref<819200x16xf32, #tpu.memory_space<hbm>> -> memref<1024x16xf32, #tpu.memory_space<hbm>>
        tpu.enqueue_dma source(%arg11 : memref<1024x16xf32, #tpu.memory_space<vmem>>) target(%dma_start3A_461 : memref<1024x16xf32, #tpu.memory_space<hbm>>) target_semaphore(%run_scoped3A : memref<!tpu.dma_semaphore, #tpu.memory_space<semaphore_mem>>)
        %dma_wait3A_462 = arith.constant 0 : i32
        %dma_wait3A_463 = tpu.memref_slice %arg7[%add3A_11, %dma_wait3A_462] : memref<819200x16xf32, #tpu.memory_space<hbm>> -> memref<1024x16xf32, #tpu.memory_space<hbm>>
        %dma_wait3A_464 = arith.constant 0 : i32
        %dma_wait3A_465 = tpu.memref_slice %arg7[%add3A_11, %dma_wait3A_464] : memref<819200x16xf32, #tpu.memory_space<hbm>> -> memref<1024x16xf32, #tpu.memory_space<hbm>>
        tpu.wait_dma2 semaphore(%run_scoped3A : memref<!tpu.dma_semaphore, #tpu.memory_space<semaphore_mem>>) src(%arg11 : memref<1024x16xf32, #tpu.memory_space<vmem>>) dst(%dma_wait3A_465 : memref<1024x16xf32, #tpu.memory_space<hbm>>)
        tpu.yield
      }) : () -> ()
    }
    %scan3A_5 = arith.constant 25 : i32
    return
  }
}

module attributes {stable_mosaic.version = 14 : i64} {
  func.func @_tc_combine_body(%arg0: i32, %arg1: i32, %arg2: memref<1024x128xf32, #tpu.memory_space<vmem>>, %arg3: memref<256x128xf32, #tpu.memory_space<vmem>>, %arg4: memref<128x512xf32, #tpu.memory_space<vmem>>, %arg5: memref<1x64x2048xf32, #tpu.memory_space<vmem>>) attributes {dimension_semantics = [#tpu.dimension_semantics<arbitrary>, #tpu.dimension_semantics<arbitrary>], iteration_bounds = array<i64: 50, 8>, scalar_prefetch = 0 : i64, scratch_operands = 0 : i64, tpu.core_type = #tpu.core_type<tc>, window_params = [{transform_indices = @transform_0, window_bounds = array<i64: 1024, 128>}, {transform_indices = @transform_1, window_bounds = array<i64: 256, 128>}, {pipeline_mode = #tpu.pipeline_mode<synchronous>, transform_indices = @transform_2, window_bounds = array<i64: 128, 512>}, {transform_indices = @transform_3, window_bounds = array<i64: 1, 64, 2048>}]} {
    %get3A = arith.constant 0 : index
    %get3A_0 = arith.constant 0 : index
    %get3A_1 = vector.load %arg2[%get3A, %get3A_0] : memref<1024x128xf32, #tpu.memory_space<vmem>>, vector<1024x128xf32>
    %transpose3A = tpu.transpose %get3A_1, [1, 0] : vector<1024x128xf32> -> vector<128x1024xf32>
    %get3A_2 = arith.constant 0 : index
    %get3A_3 = arith.constant 0 : index
    %get3A_4 = vector.load %arg3[%get3A_2, %get3A_3] : memref<256x128xf32, #tpu.memory_space<vmem>>, vector<256x128xf32>
    %get3A_5 = arith.constant 0 : index
    %get3A_6 = arith.constant 0 : index
    %get3A_7 = vector.load %arg4[%get3A_5, %get3A_6] : memref<128x512xf32, #tpu.memory_space<vmem>>, vector<128x512xf32>
    %dot_general3A = arith.constant dense<0.000000e+00> : vector<256x512xf32>
    %dot_general3A_8 = tpu.matmul %get3A_4, %get3A_7, %dot_general3A {dimension_numbers = #tpu.dot_dimension_numbers<[1], [0], [0], [1], [0, 0, 1, 1], [], []>, transpose_lhs_hint = false} : vector<256x128xf32>, vector<128x512xf32>, vector<256x512xf32> -> vector<256x512xf32>
    %transpose3A_9 = tpu.transpose %dot_general3A_8, [1, 0] : vector<256x512xf32> -> vector<512x256xf32>
    %slice3A = vector.extract_strided_slice %transpose3A_9 {offsets = [0, 0], sizes = [64, 256], strides = [1, 1]} : vector<512x256xf32> to vector<64x256xf32>
    %slice3A_10 = vector.extract_strided_slice %transpose3A_9 {offsets = [64, 0], sizes = [64, 256], strides = [1, 1]} : vector<512x256xf32> to vector<64x256xf32>
    %slice3A_11 = vector.extract_strided_slice %transpose3A_9 {offsets = [128, 0], sizes = [64, 256], strides = [1, 1]} : vector<512x256xf32> to vector<64x256xf32>
    %slice3A_12 = vector.extract_strided_slice %transpose3A_9 {offsets = [192, 0], sizes = [64, 256], strides = [1, 1]} : vector<512x256xf32> to vector<64x256xf32>
    %slice3A_13 = vector.extract_strided_slice %transpose3A_9 {offsets = [256, 0], sizes = [64, 256], strides = [1, 1]} : vector<512x256xf32> to vector<64x256xf32>
    %slice3A_14 = vector.extract_strided_slice %transpose3A_9 {offsets = [320, 0], sizes = [64, 256], strides = [1, 1]} : vector<512x256xf32> to vector<64x256xf32>
    %slice3A_15 = vector.extract_strided_slice %transpose3A_9 {offsets = [384, 0], sizes = [64, 256], strides = [1, 1]} : vector<512x256xf32> to vector<64x256xf32>
    %slice3A_16 = vector.extract_strided_slice %transpose3A_9 {offsets = [448, 0], sizes = [64, 256], strides = [1, 1]} : vector<512x256xf32> to vector<64x256xf32>
    %concatenate3A = tpu.concatenate %slice3A, %slice3A_10, %slice3A_11, %slice3A_12, %slice3A_13, %slice3A_14, %slice3A_15, %slice3A_16 in 1 : vector<64x256xf32>, vector<64x256xf32>, vector<64x256xf32>, vector<64x256xf32>, vector<64x256xf32>, vector<64x256xf32>, vector<64x256xf32>, vector<64x256xf32> -> vector<64x2048xf32>
    %slice3A_17 = vector.extract_strided_slice %transpose3A {offsets = [0, 0], sizes = [64, 1024], strides = [1, 1]} : vector<128x1024xf32> to vector<64x1024xf32>
    %slice3A_18 = vector.extract_strided_slice %transpose3A {offsets = [64, 0], sizes = [64, 1024], strides = [1, 1]} : vector<128x1024xf32> to vector<64x1024xf32>
    %concatenate3A_19 = tpu.concatenate %slice3A_17, %slice3A_18 in 1 : vector<64x1024xf32>, vector<64x1024xf32> -> vector<64x2048xf32>
    %add3A = arith.addf %concatenate3A_19, %concatenate3A : vector<64x2048xf32>
    %swap3A = arith.constant 0 : index
    %swap3A_20 = arith.constant 0 : index
    %swap3A_21 = arith.constant 0 : index
    %swap3A_22 = vector.load %arg5[%swap3A, %swap3A_20, %swap3A_21] : memref<1x64x2048xf32, #tpu.memory_space<vmem>>, vector<1x64x2048xf32>
    %swap3A_23 = vector.shape_cast %swap3A_22 : vector<1x64x2048xf32> to vector<64x2048xf32>
    %swap3A_24 = vector.shape_cast %add3A : vector<64x2048xf32> to vector<1x64x2048xf32>
    tpu.vector_store %arg5[%swap3A, %swap3A_20, %swap3A_21], %swap3A_24 {strides = array<i32>} : memref<1x64x2048xf32, #tpu.memory_space<vmem>>, vector<1x64x2048xf32>,
    return
  }
  func.func @transform_0(%arg0: i32, %arg1: i32) -> (i32, i32) {
    %mul3A = arith.constant 8 : i32
    %mul3A_0 = arith.muli %arg0, %mul3A : i32
    %add3A = arith.addi %mul3A_0, %arg1 : i32
    %c0_i32 = arith.constant 0 : i32
    %c0_i32_1 = arith.constant 0 : i32
    return %add3A, %c0_i32 : i32, i32
  }
  func.func @transform_1(%arg0: i32, %arg1: i32) -> (i32, i32) {
    %mul3A = arith.constant 8 : i32
    %mul3A_0 = arith.muli %arg0, %mul3A : i32
    %add3A = arith.addi %mul3A_0, %arg1 : i32
    %c0_i32 = arith.constant 0 : i32
    %c0_i32_1 = arith.constant 0 : i32
    return %add3A, %c0_i32 : i32, i32
  }
  func.func @transform_2(%arg0: i32, %arg1: i32) -> (i32, i32) {
    %c0_i32 = arith.constant 0 : i32
    %c0_i32_0 = arith.constant 0 : i32
    %c0_i32_1 = arith.constant 0 : i32
    return %c0_i32, %c0_i32_0 : i32, i32
  }
  func.func @transform_3(%arg0: i32, %arg1: i32) -> (i32, i32, i32) {
    %c0_i32 = arith.constant 0 : i32
    %c0_i32_0 = arith.constant 0 : i32
    return %arg0, %c0_i32, %arg1 : i32, i32, i32
  }
}

</mosaic_0001>

<sc_bundles>
// kernel: kernel.4.cloned.1.call-start
scs
__scs_entry_jumppad:
0x0: {  	(pc) =	sbr.rel $0x88, $3  }
0x1: {  	(tag) =	ssettag $0x0;
	lr =	simm.s32 $0x1  }
0x2: {  	[smem:$0x3F9D] =	sst lr;
	_ =	strace $0xD0000000  }
0x3: {  	_ = 	snop  }
0x4: {  	_ = 	snop  }
0x5: {  	_ = 	snop  }
0x6: {  	_ = 	snop  }
0x7: {  	_ = 	snop  }
__scs_overlays_trampoline_lowered:
0x8: {  	[smem:$0x3FAC] =	sst s0  }
0x9: {  	[smem:$0x3FAD] =	sst s1  }
0xa: {  	[smem:$0x3FAE] =	sst s2  }
0xb: {  	[smem:$0x3FAF] =	sst s3  }
0xc: {  	[smem:$0x3FB0] =	sst s4  }
0xd: {  	[smem:$0x3FB1] =	sst s5  }
0xe: {  	[smem:$0x3FB2] =	sst s6  }
0xf: {  	[smem:$0x3FB3] =	sst s7  }
0x10: {  	[smem:$0x3FB4] =	sst s8  }
0x11: {  	[smem:$0x3FB5] =	sst s9;
	s0 =	simm.s32 @!p0 $0x0  }
0x12: {  	s1 =	sld [smem:$0x3F9B];
	s0 =	simm.s32 @p0 $0x1  }
0x13: {  	[smem:$0x3FB6] =	sst s0;
	s0 =	simm.s32 @!p1 $0x0  }
0x14: {  	s2 =	sld [smem:$0x3F9A];
	s0 =	simm.s32 @p1 $0x1  }
0x15: {  	[smem:$0x3FB7] =	sst s0;
	s0 =	simm.s32 @!p2 $0x0  }
0x16: {  	s3 =	sld [smem:$0x3FDB];
	s0 =	simm.s32 @p2 $0x1  }
0x17: {  	s4 =	simm.s32 $0x1BF5;
	[smem:$0x3FB9] =	sst s0  }
0x18: {  	s0 =	sld [smem:$0x3F9C];
	_ =	swait.ge [sflag:s4], $0x0  }
0x19: {  	s7 =	sld [smem:$0x3F9D]  }
0x1a: {  	s8 =	sadd.s32 $0xFFFFE003, lr  }
0x1b: {  	s9 =	sadd.s32 $0xFFFFFEF7, lr;
	s5 =	simm.s32 $0xFFFFFFFF;
	p2 =	slt.u32 s8, $0xFFFFF086  }
0x1c: {  	p1 =	slt.u32 s9, $0xF7A;
	s5 =	simm.s32 @!p2 $0x0  }
0x1d: {  	s5 =	simm.s32 @p1 $0x1;
	p0 =	seq.s32 s7, s2  }
0x1e: {  	s7 =	smul.u32 @!p0 $0xF7A, s2;
	p2 =	seq.s32 @!p0 s5, $0x0  }
0x1f: {  	s9 =	smul.u32 $0xF7A, s1;
	s8 =	simm.s32 @!p0 $0x1BF5;
	p2 =	por !p2, p0  }
0x20: {  	[sflag:s8] =	ssyncset.s32 @!p0 $0xFFFFF086;
	s6 =	sadd.s32 @!p0 s3, s7;
	s7 =	simm.s32 @!p0 $0x108  }
0x21: {  	s3 =	sadd.s32 s3, s9;
	s6 =	sadd.s32 @!p0 $0x88, s6;
	s7 =	simm.s32 @p2 $0x1082  }
0x22: {  	[simem:s7], [sflag:s8] =	dma.local @!p0 [hbm:s6], $0xF7A  }
0x23: {  	s9 =	sor.u32 $0xD0000000, s2;
	s6 =	simm.s32 $0x108;
	_ =	swait.ge @!p0 [sflag:s8], $0x0  }
0x24: {  	s3 =	sadd.s32 $0x88, s3;
	s6 =	simm.s32 @!p1 $0x1082;
	[sflag:s4] =	ssyncset.s32 $0xFFFFF086  }
0x25: {  	[simem:s6], [sflag:s4] =	dma.local [hbm:s3], $0xF7A  }
0x26: {  	[smem:$0x3F9D] =	sst s1;
	(tag) =	ssettag s2;
	_ =	strace s9  }
0x27: {  	s1 =	sld [smem:$0x3FAD]  }
0x28: {  	s2 =	sld [smem:$0x3FAE]  }
0x29: {  	s4 =	sld [smem:$0x3FB0]  }
0x2a: {  	p0 =	seq.s32 s5, $0x0;
	s5 =	sld [smem:$0x3FB1]  }
0x2b: {  	s6 =	sld [smem:$0x3FB2]  }
0x2c: {  	s7 =	sld [smem:$0x3FB3]  }
0x2d: {  	s3 =	simm.s32 $0x108;
	s8 =	sld [smem:$0x3FB4]  }
0x2e: {  	s3 =	simm.s32 @!p0 $0x1082;
	s9 =	sld [smem:$0x3FB5]  }
0x2f: {  	lr =	sadd.s32 s0, s3;
	s0 =	sld [smem:$0x3FAC]  }
0x30: {  	s3 =	sld [smem:$0x3FAF]  }
0x31: {  	[smem:$0x3FB8] =	sst s10  }
0x32: {  	s10 =	sld [smem:$0x3FB6];
	_ =	sdelay $0x3  }
0x33: {  	p0 =	seq.s32 s10, $0x1;
	s10 =	sld [smem:$0x3FB8];
	_ =	sdelay $0x3  }
0x34: {  	[smem:$0x3FB8] =	sst s10  }
0x35: {  	s10 =	sld [smem:$0x3FB7];
	_ =	sdelay $0x3  }
0x36: {  	p1 =	seq.s32 s10, $0x1;
	s10 =	sld [smem:$0x3FB8];
	_ =	sdelay $0x3  }
0x37: {  	[smem:$0x3FB8] =	sst s10  }
0x38: {  	s10 =	sld [smem:$0x3FB9]  }
0x39: {  	_ = 	snop;
	(pc) =	sbr.ind lr, $3  }
0x3a: {  	_ = 	snop  }
0x3b: {  	_ = 	snop  }
0x3c: {  	p2 =	seq.s32 s10, $0x1;
	s10 =	sld [smem:$0x3FB8]  }
0x3d: {  	_ =	shalt  }
0x3e: {  	_ =	shalt  }
0x3f: {  	_ =	shalt  }
0x40: {  	_ =	shalt  }
0x41: {  	_ =	shalt  }
0x42: {  	_ =	shalt  }
0x43: {  	_ =	shalt  }
0x44: {  	_ =	shalt  }
0x45: {  	_ =	shalt  }
0x46: {  	_ =	shalt  }
0x47: {  	_ =	shalt  }
0x48: {  	_ =	shalt  }
0x49: {  	_ =	shalt  }
0x4a: {  	_ =	shalt  }
0x4b: {  	_ =	shalt  }
0x4c: {  	_ =	shalt  }
0x4d: {  	_ =	shalt  }
0x4e: {  	_ =	shalt  }
0x4f: {  	_ =	shalt  }
0x50: {  	_ =	shalt  }
0x51: {  	_ =	shalt  }
0x52: {  	_ =	shalt  }
0x53: {  	_ =	shalt  }
0x54: {  	_ =	shalt  }
0x55: {  	_ =	shalt  }
0x56: {  	_ =	shalt  }
0x57: {  	_ =	shalt  }
0x58: {  	_ =	shalt  }
0x59: {  	_ =	shalt  }
0x5a: {  	_ =	shalt  }
0x5b: {  	_ =	shalt  }
0x5c: {  	_ =	shalt  }
0x5d: {  	_ =	shalt  }
0x5e: {  	_ =	shalt  }
0x5f: {  	_ =	shalt  }
0x60: {  	_ =	shalt  }
0x61: {  	_ =	shalt  }
0x62: {  	_ =	shalt  }
0x63: {  	_ =	shalt  }
0x64: {  	_ =	shalt  }
0x65: {  	_ =	shalt  }
0x66: {  	_ =	shalt  }
0x67: {  	_ =	shalt  }
0x68: {  	_ =	shalt  }
0x69: {  	_ =	shalt  }
0x6a: {  	_ =	shalt  }
0x6b: {  	_ =	shalt  }
0x6c: {  	_ =	shalt  }
0x6d: {  	_ =	shalt  }
0x6e: {  	_ =	shalt  }
0x6f: {  	_ =	shalt  }
0x70: {  	_ =	shalt  }
0x71: {  	_ =	shalt  }
0x72: {  	_ =	shalt  }
0x73: {  	_ =	shalt  }
0x74: {  	_ =	shalt  }
0x75: {  	_ =	shalt  }
0x76: {  	_ =	shalt  }
0x77: {  	_ =	shalt  }
0x78: {  	_ =	shalt  }
0x79: {  	_ =	shalt  }
0x7a: {  	_ =	shalt  }
0x7b: {  	_ =	shalt  }
0x7c: {  	_ =	shalt  }
0x7d: {  	_ =	shalt  }
0x7e: {  	_ =	shalt  }
0x7f: {  	_ =	shalt  }
0x80: {  	_ =	shalt  }
0x81: {  	_ =	shalt  }
0x82: {  	_ =	shalt  }
0x83: {  	_ =	shalt  }
0x84: {  	_ =	shalt  }
0x85: {  	_ =	shalt  }
0x86: {  	_ =	shalt  }
0x87: {  	_ =	shalt  }
.Lfunc_end0:
.L_simem_size_0:
called_computation_lowered:
.L_overlay_start_0:
0x88: {  	s2 =	sld [smem:$0x3FD9]  }
0x89: {  	s3 =	sld [smem:$0x3FFE];
	_ =	sdelay $0x1  }
0x8a: {  	s1 =	srdreg.scid  }
0x8b: {  	s0 =	sand.u32 $0x1, s1  }
0x8c: {  	s17 =	sshll.u32 s0, $0xA;
	s2 =	sadd.s32 s3, s2  }
0x8d: {  	s2 =	sadd.s32 s2, s17  }
0x8e: {  	[smem:$0x3FC4] =	sst s2  }
0x8f: {  	_ = 	snop  }
0x90: {  	s2 =	sld [smem:$0x3FD0];
	(tm) =	ssettm $0x1  }
0x91: {  	s18 =	sld [smem:$0x3FFB];
	_ =	sdelay $0x3  }
0x92: {  	_ =	strace s18  }
0x93: {  	s3 =	sld [smem:$0x3FFC];
	_ =	sdelay $0x3  }
0x94: {  	_ =	strace s3  }
0x95: {  	s3 =	sld [smem:$0x3FFD];
	_ =	sdelay $0x3  }
0x96: {  	_ =	strace s3  }
0x97: {  	_ =	strace $0x8FFFFFFF  }
0x98: {  	s19 =	sld [smem:$0x3FDB];
	_ =	sdelay $0x1  }
0x99: {  	s4 =	simm.s32 $_scs_section_size  }
0x9a: {  	s5 =	simm.s32 $_size__tile_overlayer_lowered;
	s6 =	simm.s32 $_tile_overlayer_lowered  }
0x9b: {  	s22 =	simm.s32 $0x1BFF;
	s21 =	sshll.u32 s6, $0x1;
	s3 =	sadd.s32 s4, s19  }
0x9c: {  	s7 =	simm.s32 $0x0;
	s20 =	sshll.u32 s5, $0x1;
	s5 =	sadd.s32 s21, s3  }
0x9d: {  	[timem:s7], [sflag:s22] =	dma.local [hbm:s5], s20  }
0x9e: {  	_ =	swait.ge [sflag:s22], s20  }
0x9f: {  	s4 =	ssub.s32 $0x0, s20;
	[sflag:s22] =	ssyncset.done $0x0  }
0xa0: {  	[sflag:s22] =	ssyncadd.s32 s4;
	_ =	sdelay $0x1  }
0xa1: {  	s23 =	simm.s32 $0x1B8B  }
0xa2: {  	_ =	swait.ge [sflag:s23], $0x1  }
0xa3: {  	[sflag:s23] =	ssyncset.done $0x0  }
0xa4: {  	s25 =	simm.s32 $0x1B8E;
	s24 =	sld [smem:$0x3FFE];
	[sflag:s23] =	ssyncadd.s32 $0xFFFFFFFF  }
0xa5: {  	s26 =	simm.s32 $execute0_lowered;
	[smem:$0x3FD2] =	sst s25  }
0xa6: {  	s5 =	sshll.u32 s26, $0x1;
	_ =	strace $0x80000046;
	[dreg:$0x1] =	wrdreg $0xFFFFFFFF  }
0xa7: {  	s28 =	simm.s32 $_size_execute0_lowered;
	s3 =	sadd.s32 s3, s5;
	[dreg:$0x0] =	wrdreg $0x0  }
0xa8: {  	s5 =	sshll.u32 s28, $0x1;
	[dreg:$0x2] =	wrdreg s3  }
0xa9: {  	[dreg:$0x3] =	wrdreg s5  }
0xaa: {  	[dreg:$0x4] =	wrdreg $0xC0  }
0xab: {  	_ =	task [dreg:s7], $0x5FFFF  }
0xac: {  	[dreg:$0x1] =	wrdreg $0xFFFFFFFF  }
0xad: {  	[dreg:$0x0] =	wrdreg $0x60  }
0xae: {  	[dreg:$0x2] =	wrdreg s24  }
0xaf: {  	[dreg:$0x3] =	wrdreg s2  }
0xb0: {  	[dreg:$0x4] =	wrdreg $0x9  }
0xb1: {  	_ =	task.clear_ibuf [dreg:s7], $0x5FFFF;
	_ =	strace $0x90000046  }
0xb2: {  	s29 =	simm.s32 $0x9;
	_ =	strace $0x80000048  }
0xb3: {  	_ =	swait.ge [sflag:s29], $0x1  }
0xb4: {  	[sflag:s29] =	ssyncadd.s32 $0xFFFFFFFF  }
0xb5: {  	_ =	strace $0x90000048  }
0xb6: {  	_ =	sfence  }
0xb7: {  	s30 =	sld [smem:$0x0];
	_ =	sdelay $0x2  }
0xb8: {  	s31 =	sshll.u32 s1, $0xD;
	s1 =	sshrl.u32 s1, $0x2  }
0xb9: {  	s3 =	sand.u32 $0x4000, s31;
	s1 =	sadd.s32 s1, s30  }
0xba: {  	s0 =	sor.u32 s3, s0;
	s1 =	sshll.u32 s1, $0x11  }
0xbb: {  	s0 =	sor.u32 s1, s0  }
0xbc: {  	s0 =	sadd.s32 $0x8F2B, s0  }
0xbd: {  	[sflag:s0] =	ssyncadd.remote.s32 $0x1  }
0xbe: {  	_ =	sfence.sel $0xFFFF  }
0xbf: {  	[dreg:$0x0] =	wrdreg $0xFFFFFFFF;
	(pc) =	sbr.abs _section_cstart, $3  }
0xc0: {  	[dreg:$0x1] =	wrdreg $0xFFFFFFFF  }
0xc1: {  	_ =	task.clear_ibuf [dreg:s7], $0x2FFFF;
	_ =	strace $0x9FFFFFFF  }
0xc2: {  	(tm) =	ssettm $0x7FFFFFFF  }
0xc3: {  	_ =	shalt  }
tec
execute0_lowered:
.L_overlay_start_1:
0x0: {  	(tag) =	ssettag $0x1  }
0x1: {  	s5 =	rddreg [dreg:$0x0]  }
0x2: {  	s2 =	rddreg [dreg:$0x1];
	s3 =	simm.s32 $0x0  }
0x3: {  	[smem:$0x7FF] =	sst s3;
	s25 =	sadd.s32 $0x32A00, s5  }
0x4: {  	s28 =	simm.s32 $0x2800;
	_ =	strace $0x80000047;
	[dreg:$0x3] =	wrdreg s25  }
0x5: {  	s29 =	simm.s32 $0x480;
	[dreg:$0x6] =	wrdreg s28  }
0x6: {  	s7 =	simm.s32 $0x11000;
	[dreg:$0x7] =	wrdreg s29  }
0x7: {  	s31 =	simm.s32 $0x100;
	[dreg:$0x8] =	wrdreg s7  }
0x8: {  	s1 =	srdreg.scid;
	s11 =	simm.s32 $0x500;
	[dreg:$0x9] =	wrdreg s31  }
0x9: {  	s0 =	stileid.u32;
	s13 =	simm.s32 $0x11800;
	[dreg:$0xb] =	wrdreg s11  }
0xa: {  	s14 =	simm.s32 $0x180;
	s16 =	simm.s32 $0x6800;
	[dreg:$0xc] =	wrdreg s13  }
0xb: {  	s18 =	simm.s32 $0x580;
	s19 =	simm.s32 $0x12000;
	[dreg:$0xd] =	wrdreg s14  }
0xc: {  	s20 =	simm.s32 $0x8800;
	s4 =	smul.u32 $0xC800, s0;
	[dreg:$0xe] =	wrdreg s16  }
0xd: {  	s21 =	simm.s32 $0x600;
	s30 =	smul.u32 $0x19000, s0;
	[dreg:$0xf] =	wrdreg s18  }
0xe: {  	s1 =	sand.u32 $0x1, s1;
	s17 =	smul.u32 $0x320000, s0;
	[dreg:$0x10] =	wrdreg s19  }
0xf: {  	s23 =	simm.s32 $0x12800;
	s6 =	smul.u32 $0x6400, s1;
	[dreg:$0x12] =	wrdreg s20  }
0x10: {  	s7 =	simm.s32 $0x4800;
	s10 =	ssub.s32 $0x2, s1;
	[dreg:$0x13] =	wrdreg s21  }
0x11: {  	s11 =	simm.s32 $0x200;
	[dreg:$0x14] =	wrdreg s23;
	s25 =	simm.s32 $0x280  }
0x12: {  	s28 =	simm.s32 $0x680;
	s29 =	simm.s32 $0x13000;
	s13 =	simm.s32 $0x10800  }
0x13: {  	s31 =	simm.s32 $0xC800;
	s18 =	simm.s32 $0x780;
	[dreg:$0xa] =	wrdreg s7  }
0x14: {  	s19 =	simm.s32 $0x14000;
	s20 =	simm.s32 $0x2;
	[dreg:$0x11] =	wrdreg s11  }
0x15: {  	s21 =	simm.s32 $0x3;
	s23 =	simm.s32 $0x4;
	[dreg:$0x15] =	wrdreg s25  }
0x16: {  	s9 =	sadd.s32 s30, s5;
	s12 =	sshrl.u32 s10, $0x1;
	[dreg:$0x17] =	wrdreg s28  }
0x17: {  	s11 =	simm.s32 $0x80;
	[dreg:$0x18] =	wrdreg s29;
	s30 =	simm.s32 $0x300  }
0x18: {  	s8 =	sadd.s32 s6, s4;
	s6 =	ssub.s32 s10, s12;
	s10 =	smul.u32 $0x190000, s1  }
0x19: {  	[dreg:$0x1a] =	wrdreg s31;
	s7 =	simm.s32 $0x380;
	s1 =	smul.u32 $0xC800, s1  }
0x1a: {  	s12 =	simm.s32 $0x800;
	[dreg:$0x19] =	wrdreg s30;
	s4 =	sshrl.u32 s8, $0x3  }
0x1b: {  	s15 =	smax.u32 s6, $0x1;
	s24 =	sshrl.u32 s8, $0x4;
	s6 =	simm.s32 $0x13800  }
0x1c: {  	s8 =	simm.s32 $0xE800;
	s4 =	sadd.s32 s4, s5;
	[dreg:$0x1b] =	wrdreg s15  }
0x1d: {  	s0 =	sadd.s32 s10, s17;
	s1 =	sadd.s32 s1, s9;
	[dreg:$0x1e] =	wrdreg s24  }
0x1e: {  	s9 =	simm.s32 $0x1;
	s26 =	sadd.s32 $0x19A00, s4;
	[dreg:$0x1c] =	wrdreg s0  }
0x1f: {  	s10 =	simm.s32 $0x400;
	s4 =	sadd.s32 $0xA00, s4;
	[dreg:$0x4] =	wrdreg s26  }
0x20: {  	s22 =	sadd.s32 $0x672A00, s1;
	s1 =	simm.s32 $0x0;
	[dreg:$0x5] =	wrdreg s4  }
0x21: {  	s4 =	sadd.s32 $0xF74E00, s5;
	[dreg:$0x1d] =	wrdreg s22;
	s26 =	simm.s32 $0xA800  }
0x22: {  	s5 =	simm.s32 $0x700;
	s22 =	simm.s32 $0x40;
	[dreg:$0x16] =	wrdreg s26  }
.LBB2_1:
0x23: {  	s0 =	rddreg [dreg:$0x5]  }
0x24: {  	[dreg:$0x1f] =	wrdreg s1;
	s1 =	sadd.s32 $0x0, s0  }
0x25: {  	[tilespmem:s3], [sflag:$0x1] =	stream.linear.gather [hbm4b:s1+s3], $0x400, $0x38;
	[tilespmem:$0x14800] =	vst v63  }
0x26: {  	_ =	swait.ge [sflag:s9], $0x400  }
0x27: {  	s14 =	rddreg [dreg:$0x4];
	[sflag:s9] =	ssyncset.done $0x0  }
0x28: {  	[sflag:s9] =	ssyncadd.s32 $0xFFFFFC00;
	s1 =	sadd.s32 $0x0, s14  }
0x29: {  	[tilespmem:s10], [sflag:$0x1] =	stream.linear.gather [hbm4b:s1+s3], $0x400, $0x38;
	[tilespmem:$0x14800] =	vst v63  }
0x2a: {  	_ =	swait.ge [sflag:s9], $0x400  }
0x2b: {  	s15 =	rddreg [dreg:$0x1a]  }
0x2c: {  	s25 =	rddreg [dreg:$0x18]  }
0x2d: {  	s26 =	rddreg [dreg:$0x16]  }
0x2e: {  	[sflag:s9] =	ssyncset.done $0x0;
	s28 =	rddreg [dreg:$0x6]  }
0x2f: {  	s29 =	rddreg [dreg:$0x8];
	[sflag:s9] =	ssyncadd.s32 $0xFFFFFC00  }
0x30: {  	[tilespmem:s12], [sflag:$0x2] =	stream.indirect.gather [hbm4b:s4+s11], $0x40, s3, s11, $0xb8;
	[tilespmem:$0x14800] =	vst v63  }
0x31: {  	s30 =	rddreg [dreg:$0xa]  }
0x32: {  	[tilespmem:s13], [sflag:$0x3] =	stream.indirect.gather [hbm4b:s2+s11], $0x10, s10, s11, $0xb8;
	[tilespmem:$0x14800] =	vst v63  }
0x33: {  	s31 =	rddreg [dreg:$0x7]  }
0x34: {  	[tilespmem:s28], [sflag:$0x2] =	stream.indirect.gather [hbm4b:s4+s11], $0x40, s11, s11, $0xb8;
	[tilespmem:$0x14800] =	vst v63  }
0x35: {  	s28 =	rddreg [dreg:$0x9]  }
0x36: {  	[tilespmem:s29], [sflag:$0x3] =	stream.indirect.gather [hbm4b:s2+s11], $0x10, s31, s11, $0xb8;
	[tilespmem:$0x14800] =	vst v63  }
0x37: {  	s29 =	rddreg [dreg:$0xc]  }
0x38: {  	s31 =	rddreg [dreg:$0xb]  }
0x39: {  	[tilespmem:s30], [sflag:$0x2] =	stream.indirect.gather [hbm4b:s4+s11], $0x40, s28, s11, $0xb8;
	[tilespmem:$0x14800] =	vst v63  }
0x3a: {  	s28 =	rddreg [dreg:$0xe]  }
0x3b: {  	s30 =	rddreg [dreg:$0xd]  }
0x3c: {  	[tilespmem:s29], [sflag:$0x3] =	stream.indirect.gather [hbm4b:s2+s11], $0x10, s31, s11, $0xb8;
	[tilespmem:$0x14800] =	vst v63  }
0x3d: {  	s29 =	rddreg [dreg:$0x10]  }
0x3e: {  	s31 =	rddreg [dreg:$0xf]  }
0x3f: {  	[tilespmem:s28], [sflag:$0x2] =	stream.indirect.gather [hbm4b:s4+s11], $0x40, s30, s11, $0xb8;
	[tilespmem:$0x14800] =	vst v63  }
0x40: {  	s28 =	rddreg [dreg:$0x12]  }
0x41: {  	s30 =	rddreg [dreg:$0x11]  }
0x42: {  	[tilespmem:s29], [sflag:$0x3] =	stream.indirect.gather [hbm4b:s2+s11], $0x10, s31, s11, $0xb8;
	[tilespmem:$0x14800] =	vst v63  }
0x43: {  	s29 =	rddreg [dreg:$0x14]  }
0x44: {  	[tilespmem:s28], [sflag:$0x2] =	stream.indirect.gather [hbm4b:s4+s11], $0x40, s30, s11, $0xb8;
	[tilespmem:$0x14800] =	vst v63  }
0x45: {  	s31 =	rddreg [dreg:$0x13]  }
0x46: {  	[tilespmem:s29], [sflag:$0x3] =	stream.indirect.gather [hbm4b:s2+s11], $0x10, s31, s11, $0xb8;
	[tilespmem:$0x14800] =	vst v63  }
0x47: {  	s28 =	rddreg [dreg:$0x15]  }
0x48: {  	[tilespmem:s26], [sflag:$0x2] =	stream.indirect.gather [hbm4b:s4+s11], $0x40, s28, s11, $0xb8;
	[tilespmem:$0x14800] =	vst v63  }
0x49: {  	s29 =	rddreg [dreg:$0x17]  }
0x4a: {  	[tilespmem:s25], [sflag:$0x3] =	stream.indirect.gather [hbm4b:s2+s11], $0x10, s29, s11, $0xb8;
	[tilespmem:$0x14800] =	vst v63  }
0x4b: {  	s16 =	rddreg [dreg:$0x19]  }
0x4c: {  	[tilespmem:s15], [sflag:$0x2] =	stream.indirect.gather [hbm4b:s4+s11], $0x40, s16, s11, $0xb8;
	[tilespmem:$0x14800] =	vst v63  }
0x4d: {  	_ = 	snop  }
0x4e: {  	[tilespmem:s6], [sflag:$0x3] =	stream.indirect.gather [hbm4b:s2+s11], $0x10, s5, s11, $0xb8;
	[tilespmem:$0x14800] =	vst v63  }
0x4f: {  	_ = 	snop  }
0x50: {  	[tilespmem:s8], [sflag:$0x2] =	stream.indirect.gather [hbm4b:s4+s11], $0x40, s7, s11, $0xb8;
	[tilespmem:$0x14800] =	vst v63  }
0x51: {  	_ = 	snop  }
0x52: {  	[tilespmem:s19], [sflag:$0x3] =	stream.indirect.gather [hbm4b:s2+s11], $0x10, s18, s11, $0xb8;
	[tilespmem:$0x14800] =	vst v63  }
0x53: {  	_ =	swait.ge [sflag:s20], $0x2000  }
0x54: {  	[sflag:s20] =	ssyncset.done $0x0  }
0x55: {  	[sflag:s20] =	ssyncadd.s32 $0xFFFFE000  }
0x56: {  	_ =	swait.ge [sflag:s21], $0x800  }
0x57: {  	[sflag:s21] =	ssyncset.done $0x0  }
0x58: {  	[sflag:s21] =	ssyncadd.s32 $0xFFFFF800  }
0x59: {  	_ =	swait.ge [sflag:s20], $0x2000  }
0x5a: {  	[sflag:s20] =	ssyncset.done $0x0  }
0x5b: {  	[sflag:s20] =	ssyncadd.s32 $0xFFFFE000  }
0x5c: {  	_ =	swait.ge [sflag:s21], $0x800  }
0x5d: {  	[sflag:s21] =	ssyncset.done $0x0  }
0x5e: {  	[sflag:s21] =	ssyncadd.s32 $0xFFFFF800  }
0x5f: {  	_ =	swait.ge [sflag:s20], $0x2000  }
0x60: {  	[sflag:s20] =	ssyncset.done $0x0  }
0x61: {  	[sflag:s20] =	ssyncadd.s32 $0xFFFFE000  }
0x62: {  	_ =	swait.ge [sflag:s21], $0x800  }
0x63: {  	[sflag:s21] =	ssyncset.done $0x0  }
0x64: {  	[sflag:s21] =	ssyncadd.s32 $0xFFFFF800  }
0x65: {  	_ =	swait.ge [sflag:s20], $0x2000  }
0x66: {  	[sflag:s20] =	ssyncset.done $0x0  }
0x67: {  	[sflag:s20] =	ssyncadd.s32 $0xFFFFE000  }
0x68: {  	_ =	swait.ge [sflag:s21], $0x800  }
0x69: {  	[sflag:s21] =	ssyncset.done $0x0  }
0x6a: {  	[sflag:s21] =	ssyncadd.s32 $0xFFFFF800  }
0x6b: {  	_ =	swait.ge [sflag:s20], $0x2000  }
0x6c: {  	[sflag:s20] =	ssyncset.done $0x0  }
0x6d: {  	[sflag:s20] =	ssyncadd.s32 $0xFFFFE000  }
0x6e: {  	_ =	swait.ge [sflag:s21], $0x800  }
0x6f: {  	[sflag:s21] =	ssyncset.done $0x0  }
0x70: {  	[sflag:s21] =	ssyncadd.s32 $0xFFFFF800  }
0x71: {  	_ =	swait.ge [sflag:s20], $0x2000  }
0x72: {  	[sflag:s20] =	ssyncset.done $0x0  }
0x73: {  	[sflag:s20] =	ssyncadd.s32 $0xFFFFE000  }
0x74: {  	_ =	swait.ge [sflag:s21], $0x800  }
0x75: {  	[sflag:s21] =	ssyncset.done $0x0  }
0x76: {  	[sflag:s21] =	ssyncadd.s32 $0xFFFFF800  }
0x77: {  	_ =	swait.ge [sflag:s20], $0x2000  }
0x78: {  	[sflag:s20] =	ssyncset.done $0x0  }
0x79: {  	[sflag:s20] =	ssyncadd.s32 $0xFFFFE000  }
0x7a: {  	_ =	swait.ge [sflag:s21], $0x800  }
0x7b: {  	[sflag:s21] =	ssyncset.done $0x0  }
0x7c: {  	[sflag:s21] =	ssyncadd.s32 $0xFFFFF800  }
0x7d: {  	_ =	swait.ge [sflag:s20], $0x2000  }
0x7e: {  	[sflag:s20] =	ssyncset.done $0x0  }
0x7f: {  	[sflag:s20] =	ssyncadd.s32 $0xFFFFE000  }
0x80: {  	_ =	swait.ge [sflag:s21], $0x800  }
0x81: {  	s29 =	rddreg [dreg:$0x1c]  }
0x82: {  	s0 =	rddreg [dreg:$0x1e]  }
0x83: {  	s25 =	simm.s32 $0x80;
	s31 =	rddreg [dreg:$0x3]  }
0x84: {  	[sflag:s21] =	ssyncset.done $0x0;
	s17 =	sand.u32 $0x7FFE0000, s29;
	s24 =	sand.u32 $0x40, s0  }
0x85: {  	s26 =	rddreg [dreg:$0x1d];
	[sflag:s21] =	ssyncadd.s32 $0xFFFFF800;
	s1 =	sor.u32 s24, s17  }
0x86: {  	s28 =	sadd.s32 $0x40, s0;
	s30 =	smov.u32 s26;
	s1 =	sshrl.u32 s1, $0x3  }
.LBB2_2:
0x87: {  	s1 =	sadd.s32 s31, s1  }
0x88: {  	[hbm4b:s1+s22] =	stream.strided.scatter [tilespmem:s12], [sflag:$0x4], $0x10000, s11, s22, $0x38;
	[tilespmem:$0x14800] =	vst v63  }
0x89: {  	_ =	swait.ge [sflag:s23], $0x10000  }
0x8a: {  	[sflag:s23] =	ssyncset.done $0x0  }
0x8b: {  	[sflag:s23] =	ssyncadd.s32 $0xFFFF0000  }
0x8c: {  	[hbm4b:s26+s3] =	stream.linear.scatter [tilespmem:s13], [sflag:$0x4], $0x4000, $0x38;
	[tilespmem:$0x14800] =	vst v63  }
0x8d: {  	_ =	swait.ge [sflag:s23], $0x4000  }
0x8e: {  	s31 =	smov.u32 s25;
	s15 =	rddreg [dreg:$0x5];
	[sflag:s23] =	ssyncset.done $0x0  }
0x8f: {  	[sflag:s23] =	ssyncadd.s32 $0xFFFFC000;
	s1 =	sadd.s32 s31, s15  }
0x90: {  	[tilespmem:s3], [sflag:$0x1] =	stream.linear.gather [hbm4b:s1+s3], $0x400, $0x38;
	[tilespmem:$0x14800] =	vst v63  }
0x91: {  	_ =	swait.ge [sflag:s9], $0x400  }
0x92: {  	s16 =	rddreg [dreg:$0x4];
	[sflag:s9] =	ssyncset.done $0x0  }
0x93: {  	[sflag:s9] =	ssyncadd.s32 $0xFFFFFC00;
	s1 =	sadd.s32 s31, s16  }
0x94: {  	[tilespmem:s10], [sflag:$0x1] =	stream.linear.gather [hbm4b:s1+s3], $0x400, $0x38;
	[tilespmem:$0x14800] =	vst v63  }
0x95: {  	_ =	swait.ge [sflag:s9], $0x400  }
0x96: {  	s31 =	rddreg [dreg:$0x1a]  }
0x97: {  	s1 =	rddreg [dreg:$0x18]  }
0x98: {  	s0 =	rddreg [dreg:$0x16]  }
0x99: {  	s5 =	rddreg [dreg:$0x14]  }
0x9a: {  	s6 =	rddreg [dreg:$0x12]  }
0x9b: {  	s8 =	rddreg [dreg:$0x10]  }
0x9c: {  	s7 =	rddreg [dreg:$0xe]  }
0x9d: {  	[sflag:s9] =	ssyncset.done $0x0;
	s24 =	rddreg [dreg:$0x6]  }
0x9e: {  	s14 =	rddreg [dreg:$0x8];
	[sflag:s9] =	ssyncadd.s32 $0xFFFFFC00  }
0x9f: {  	[tilespmem:s12], [sflag:$0x2] =	stream.indirect.gather [hbm4b:s4+s11], $0x40, s3, s11, $0xb8;
	[tilespmem:$0x14800] =	vst v63  }
0xa0: {  	s15 =	rddreg [dreg:$0xa]  }
0xa1: {  	[tilespmem:s13], [sflag:$0x3] =	stream.indirect.gather [hbm4b:s2+s11], $0x10, s10, s11, $0xb8;
	[tilespmem:$0x14800] =	vst v63  }
0xa2: {  	s16 =	rddreg [dreg:$0xc]  }
0xa3: {  	[tilespmem:s24], [sflag:$0x2] =	stream.indirect.gather [hbm4b:s4+s11], $0x40, s11, s11, $0xb8;
	[tilespmem:$0x14800] =	vst v63  }
0xa4: {  	s17 =	rddreg [dreg:$0x7]  }
0xa5: {  	[tilespmem:s14], [sflag:$0x3] =	stream.indirect.gather [hbm4b:s2+s11], $0x10, s17, s11, $0xb8;
	[tilespmem:$0x14800] =	vst v63  }
0xa6: {  	s24 =	rddreg [dreg:$0x9]  }
0xa7: {  	[tilespmem:s15], [sflag:$0x2] =	stream.indirect.gather [hbm4b:s4+s11], $0x40, s24, s11, $0xb8;
	[tilespmem:$0x14800] =	vst v63  }
0xa8: {  	s17 =	rddreg [dreg:$0xb]  }
0xa9: {  	[tilespmem:s16], [sflag:$0x3] =	stream.indirect.gather [hbm4b:s2+s11], $0x10, s17, s11, $0xb8;
	[tilespmem:$0x14800] =	vst v63  }
0xaa: {  	s24 =	rddreg [dreg:$0xd]  }
0xab: {  	[tilespmem:s7], [sflag:$0x2] =	stream.indirect.gather [hbm4b:s4+s11], $0x40, s24, s11, $0xb8;
	[tilespmem:$0x14800] =	vst v63  }
0xac: {  	s16 =	rddreg [dreg:$0xf]  }
0xad: {  	[tilespmem:s8], [sflag:$0x3] =	stream.indirect.gather [hbm4b:s2+s11], $0x10, s16, s11, $0xb8;
	[tilespmem:$0x14800] =	vst v63  }
0xae: {  	s17 =	rddreg [dreg:$0x11]  }
0xaf: {  	[tilespmem:s6], [sflag:$0x2] =	stream.indirect.gather [hbm4b:s4+s11], $0x40, s17, s11, $0xb8;
	[tilespmem:$0x14800] =	vst v63  }
0xb0: {  	s24 =	rddreg [dreg:$0x13]  }
0xb1: {  	[tilespmem:s5], [sflag:$0x3] =	stream.indirect.gather [hbm4b:s2+s11], $0x10, s24, s11, $0xb8;
	[tilespmem:$0x14800] =	vst v63  }
0xb2: {  	s14 =	rddreg [dreg:$0x15]  }
0xb3: {  	[tilespmem:s0], [sflag:$0x2] =	stream.indirect.gather [hbm4b:s4+s11], $0x40, s14, s11, $0xb8;
	[tilespmem:$0x14800] =	vst v63  }
0xb4: {  	s15 =	rddreg [dreg:$0x17]  }
0xb5: {  	[tilespmem:s1], [sflag:$0x3] =	stream.indirect.gather [hbm4b:s2+s11], $0x10, s15, s11, $0xb8;
	[tilespmem:$0x14800] =	vst v63  }
0xb6: {  	s16 =	rddreg [dreg:$0x19]  }
0xb7: {  	[tilespmem:s31], [sflag:$0x2] =	stream.indirect.gather [hbm4b:s4+s11], $0x40, s16, s11, $0xb8;
	[tilespmem:$0x14800] =	vst v63  }
0xb8: {  	s6 =	simm.s32 $0x13800;
	s5 =	simm.s32 $0x700  }
0xb9: {  	[tilespmem:s6], [sflag:$0x3] =	stream.indirect.gather [hbm4b:s2+s11], $0x10, s5, s11, $0xb8;
	[tilespmem:$0x14800] =	vst v63  }
0xba: {  	s7 =	simm.s32 $0x380;
	s8 =	simm.s32 $0xE800  }
0xbb: {  	[tilespmem:s8], [sflag:$0x2] =	stream.indirect.gather [hbm4b:s4+s11], $0x40, s7, s11, $0xb8;
	[tilespmem:$0x14800] =	vst v63  }
0xbc: {  	_ = 	snop  }
0xbd: {  	[tilespmem:s19], [sflag:$0x3] =	stream.indirect.gather [hbm4b:s2+s11], $0x10, s18, s11, $0xb8;
	[tilespmem:$0x14800] =	vst v63  }
0xbe: {  	_ =	swait.ge [sflag:s20], $0x2000  }
0xbf: {  	[sflag:s20] =	ssyncset.done $0x0  }
0xc0: {  	[sflag:s20] =	ssyncadd.s32 $0xFFFFE000  }
0xc1: {  	_ =	swait.ge [sflag:s21], $0x800  }
0xc2: {  	[sflag:s21] =	ssyncset.done $0x0  }
0xc3: {  	[sflag:s21] =	ssyncadd.s32 $0xFFFFF800  }
0xc4: {  	_ =	swait.ge [sflag:s20], $0x2000  }
0xc5: {  	[sflag:s20] =	ssyncset.done $0x0  }
0xc6: {  	[sflag:s20] =	ssyncadd.s32 $0xFFFFE000  }
0xc7: {  	_ =	swait.ge [sflag:s21], $0x800  }
0xc8: {  	[sflag:s21] =	ssyncset.done $0x0  }
0xc9: {  	[sflag:s21] =	ssyncadd.s32 $0xFFFFF800  }
0xca: {  	_ =	swait.ge [sflag:s20], $0x2000  }
0xcb: {  	[sflag:s20] =	ssyncset.done $0x0  }
0xcc: {  	[sflag:s20] =	ssyncadd.s32 $0xFFFFE000  }
0xcd: {  	_ =	swait.ge [sflag:s21], $0x800  }
0xce: {  	[sflag:s21] =	ssyncset.done $0x0  }
0xcf: {  	[sflag:s21] =	ssyncadd.s32 $0xFFFFF800  }
0xd0: {  	_ =	swait.ge [sflag:s20], $0x2000  }
0xd1: {  	[sflag:s20] =	ssyncset.done $0x0  }
0xd2: {  	[sflag:s20] =	ssyncadd.s32 $0xFFFFE000  }
0xd3: {  	_ =	swait.ge [sflag:s21], $0x800  }
0xd4: {  	[sflag:s21] =	ssyncset.done $0x0  }
0xd5: {  	[sflag:s21] =	ssyncadd.s32 $0xFFFFF800  }
0xd6: {  	_ =	swait.ge [sflag:s20], $0x2000  }
0xd7: {  	[sflag:s20] =	ssyncset.done $0x0  }
0xd8: {  	[sflag:s20] =	ssyncadd.s32 $0xFFFFE000  }
0xd9: {  	_ =	swait.ge [sflag:s21], $0x800  }
0xda: {  	[sflag:s21] =	ssyncset.done $0x0  }
0xdb: {  	[sflag:s21] =	ssyncadd.s32 $0xFFFFF800  }
0xdc: {  	_ =	swait.ge [sflag:s20], $0x2000  }
0xdd: {  	[sflag:s20] =	ssyncset.done $0x0  }
0xde: {  	[sflag:s20] =	ssyncadd.s32 $0xFFFFE000  }
0xdf: {  	_ =	swait.ge [sflag:s21], $0x800  }
0xe0: {  	[sflag:s21] =	ssyncset.done $0x0  }
0xe1: {  	[sflag:s21] =	ssyncadd.s32 $0xFFFFF800  }
0xe2: {  	_ =	swait.ge [sflag:s20], $0x2000  }
0xe3: {  	[sflag:s20] =	ssyncset.done $0x0  }
0xe4: {  	[sflag:s20] =	ssyncadd.s32 $0xFFFFE000  }
0xe5: {  	_ =	swait.ge [sflag:s21], $0x800  }
0xe6: {  	[sflag:s21] =	ssyncset.done $0x0  }
0xe7: {  	[sflag:s21] =	ssyncadd.s32 $0xFFFFF800  }
0xe8: {  	s29 =	sadd.s32 $0x10000, s29;
	p0 =	sne.s32 s25, $0xC00;
	_ =	swait.ge [sflag:s20], $0x2000  }
.Ltmp0:
0xe9: {  	s30 =	sadd.s32 $0x800, s30;
	[sflag:s20] =	ssyncset.done $0x0;
	(pc) =	sbr.rel @p0 .LBB2_2-.Ltmp0, $4  }
0xea: {  	s25 =	sadd.s32 $0x80, s25;
	s26 =	smov.u32 s30;
	[sflag:s20] =	ssyncadd.s32 $0xFFFFE000  }
0xeb: {  	s17 =	sand.u32 $0x7FFE0000, s29;
	s24 =	sand.u32 $0x40, s28;
	_ =	swait.ge [sflag:s21], $0x800  }
0xec: {  	s28 =	sadd.s32 $0x40, s28;
	s0 =	sor.u32 s24, s17;
	[sflag:s21] =	ssyncset.done $0x0  }
0xed: {  	s1 =	sshrl.u32 s0, $0x3;
	s31 =	rddreg [dreg:$0x3];
	[sflag:s21] =	ssyncadd.s32 $0xFFFFF800  }
0xee: {  	s0 =	sadd.s32 s31, s1  }
0xef: {  	[hbm4b:s0+s22] =	stream.strided.scatter [tilespmem:s12], [sflag:$0x4], $0x10000, s11, s22, $0x38;
	[tilespmem:$0x14800] =	vst v63  }
0xf0: {  	_ =	swait.ge [sflag:s23], $0x10000  }
0xf1: {  	[sflag:s23] =	ssyncset.done $0x0  }
0xf2: {  	[sflag:s23] =	ssyncadd.s32 $0xFFFF0000  }
0xf3: {  	[hbm4b:s26+s3] =	stream.linear.scatter [tilespmem:s13], [sflag:$0x4], $0x4000, $0x38;
	[tilespmem:$0x14800] =	vst v63  }
0xf4: {  	_ =	swait.ge [sflag:s23], $0x4000  }
0xf5: {  	s30 =	rddreg [dreg:$0x1f]  }
0xf6: {  	s31 =	rddreg [dreg:$0x1b];
	s1 =	sadd.s32 $0x1, s30  }
0xf7: {  	p0 =	sne.s32 s1, s31  }
.Ltmp1:
0xf8: {  	_ = 	snop;
	(pc) =	sbr.rel @p0 .LBB2_1-.Ltmp1, $3  }
0xf9: {  	_ =	sdelay $0x1  }
0xfa: {  	[sflag:s23] =	ssyncset.done $0x0  }
0xfb: {  	[sflag:s23] =	ssyncadd.s32 $0xFFFFC000  }
0xfc: {  	_ =	sfence.sel $0x180000  }
0xfd: {  	[bflag:$0x0] =	sbarrier.arrive $0xFFFF  }
0xfe: {  	_ =	strace $0x90000047  }
0xff: {  	s0 =	stileid.u32;
	[bflag:$0x2] =	sbarrier.arrive $0xFFFF  }
0x100: {  	p0 =	sne.s32 s0, $0x0;
	s0 =	rddreg [dreg:$0x2]  }
0x101: {  	s0 =	sadd.s32 @!p0 $0x100000, s0  }
0x102: {  	[sflag:s0] =	ssyncadd.tile.s32 @!p0 $0x1;
	_ =	shalt  }
.Lfunc_end2:
_tile_overlayer_lowered:
.L_overlay_start_2:
0x103: {  	(tag) =	ssettag $0x2  }
0x104: {  	s0 =	rddreg [dreg:$0x0];
	s2 =	stileid.u32  }
0x105: {  	s1 =	rddreg [dreg:$0x1];
	p0 =	sne.s32 s2, $0x0  }
0x106: {  	s3 =	rddreg [dreg:$0x2];
	[bflag:$0x3] =	sbarrier.arrive $0xFFFF;
	s2 =	simm.s32 @!p0 $0x1C04  }
0x107: {  	[timem:s3], [sflag:s2] =	dma.local @!p0 [hbm:s0], s1  }
0x108: {  	s0 =	simm.s32 @!p0 $0x4  }
0x109: {  	_ =	swait.ge @!p0 [sflag:s0], s1  }
0x10a: {  	s1 =	ssub.s32 @!p0 $0x0, s1;
	[sflag:s0] =	ssyncset.done @!p0 $0x0  }
0x10b: {  	[sflag:s0] =	ssyncadd.s32 @!p0 s1  }
0x10c: {  	[bflag:$0x3] =	sbarrier.arrive $0xFFFF  }
0x10d: {  	_ =	shalt  }

</sc_bundles>
